<compile_context>
chip_gen: v7x
topology: tpu7x:2x2x1
jax: 0.10.2.dev20260603
libtpu: 0.0.44.dev20260713+nightly
codegen_flags: <defaults>
</compile_context>

<pallas_src>
import functools

import jax
import jax.numpy as jnp
from jax import lax
from jax.experimental import pallas as pl
from jax.experimental.pallas import tpu as pltpu
from jax.experimental.pallas import tpu_sc as plsc

E = 8
LANES = 16
NUM_WORKERS = 32


def _logits_t(x, weight, tb, start_blk, nblk):
    t, h = x.shape
    return pl.pallas_call(
        _mm_block_body,
        grid=(nblk,),
        in_specs=[
            pl.BlockSpec((tb, h), lambda i: (start_blk + i, 0)),
            pl.BlockSpec((E, h), lambda i: (0, 0)),
        ],
        out_specs=pl.BlockSpec((E, tb), lambda i: (0, i)),
        out_shape=jax.ShapeDtypeStruct((E, nblk * tb), jnp.float32),
    )(x, weight)


def _mm_block_body(x_ref, w_ref, o_ref):
    o_ref[...] = lax.dot_general(
        w_ref[...], x_ref[...],
        dimension_numbers=(((1,), (1,)), ((), ())),
        preferred_element_type=jnp.float32,
    )


def _route_body(tpw, logits_hbm, i1_hbm, i2_hbm, w1_hbm, w2_hbm,
                lbuf, ibuf1, ibuf2, wbuf1, wbuf2):
    wid = lax.axis_index("s") * 2 + lax.axis_index("c")
    base = wid * tpw
    pltpu.sync_copy(logits_hbm.at[:, pl.ds(base, tpw)], lbuf)

    def body(g, carry):
        off = g * LANES
        vs = [lbuf[e, pl.ds(off, LANES)] for e in range(E)]
        m = vs[0]
        for e in range(1, E):
            m = jnp.maximum(m, vs[e])
        qs = [jnp.exp(v - m) for v in vs]
        s = qs[0]
        for e in range(1, E):
            s = s + qs[e]
        m1 = qs[0]
        for e in range(1, E):
            m1 = jnp.maximum(m1, qs[e])
        i1 = jnp.full((LANES,), E - 1, jnp.int32)
        for e in range(E - 1, -1, -1):
            i1 = jnp.where(qs[e] == m1, jnp.full((LANES,), e, jnp.int32), i1)
        pm = [jnp.where(i1 == jnp.full((LANES,), e, jnp.int32),
                        jnp.full((LANES,), -1.0, jnp.float32), qs[e])
              for e in range(E)]
        m2 = pm[0]
        for e in range(1, E):
            m2 = jnp.maximum(m2, pm[e])
        i2 = jnp.full((LANES,), E - 1, jnp.int32)
        for e in range(E - 1, -1, -1):
            i2 = jnp.where(pm[e] == m2, jnp.full((LANES,), e, jnp.int32), i2)
        ibuf1[pl.ds(off, LANES)] = i1
        ibuf2[pl.ds(off, LANES)] = i2
        wbuf1[pl.ds(off, LANES)] = m1 / s
        wbuf2[pl.ds(off, LANES)] = m2 / s
        return carry

    lax.fori_loop(0, tpw // LANES, body, jnp.int32(0))
    pltpu.sync_copy(ibuf1, i1_hbm.at[pl.ds(base, tpw)])
    pltpu.sync_copy(ibuf2, i2_hbm.at[pl.ds(base, tpw)])
    pltpu.sync_copy(wbuf1, w1_hbm.at[pl.ds(base, tpw)])
    pltpu.sync_copy(wbuf2, w2_hbm.at[pl.ds(base, tpw)])


def _route(logits_t):
    _, t = logits_t.shape
    tpw = t // NUM_WORKERS
    mesh = plsc.VectorSubcoreMesh(core_axis_name="c", subcore_axis_name="s")
    run = pl.kernel(
        functools.partial(_route_body, tpw),
        out_type=(
            jax.ShapeDtypeStruct((t,), jnp.int32),
            jax.ShapeDtypeStruct((t,), jnp.int32),
            jax.ShapeDtypeStruct((t,), jnp.float32),
            jax.ShapeDtypeStruct((t,), jnp.float32),
        ),
        mesh=mesh,
        compiler_params=pltpu.CompilerParams(needs_layout_passes=False),
        scratch_types=[
            pltpu.VMEM((E, tpw), jnp.float32),
            pltpu.VMEM((tpw,), jnp.int32),
            pltpu.VMEM((tpw,), jnp.int32),
            pltpu.VMEM((tpw,), jnp.float32),
            pltpu.VMEM((tpw,), jnp.float32),
        ],
    )
    return run(logits_t)


TB = 1024
SPLIT = 28


def kernel(hidden_states, weight):
    bsz, seq, h = hidden_states.shape
    t = bsz * seq
    x = hidden_states.reshape(t, h)
    nblk = t // TB
    planes = []
    for start, n in ((0, SPLIT), (SPLIT, nblk - SPLIT)):
        logits_t = _logits_t(x, weight, TB, start, n)
        planes.append(_route(logits_t))
    i1, i2, w1, w2 = (jnp.concatenate(p) for p in zip(*planes))
    return jnp.stack([i1, i2], axis=1), jnp.stack([w1, w2], axis=1)

# --- scband reference (transcript-rebuilt; emitter-appended) ---
"""Pipeline reference for scband-deepseek-mo-egate-44418551775973 (READ-ONLY COPY).

The authoritative reference and input builder live on the scoring server;
editing this copy changes nothing except your own understanding.
"""

import jax, jax.numpy as jnp
import numpy as np

TOP_K = 2
N_ROUTED_EXPERTS = 8
HIDDEN = 2048
BSZ, SEQ = 4, 8192
ROUTED_SCALING_FACTOR = 1.0
NORM_TOPK_PROB = False


def setup_inputs(seed: int = 0) -> dict:
    key = jax.random.key(seed)
    k1, k2 = jax.random.split(key)
    hidden_states = jax.random.normal(k1, (BSZ, SEQ, HIDDEN), dtype=jnp.float32)
    # gate weight parameter, shape (n_routed_experts, gating_dim), kaiming-ish init
    weight = jax.random.normal(k2, (N_ROUTED_EXPERTS, HIDDEN), dtype=jnp.float32) * (1.0 / np.sqrt(HIDDEN))
    return {"hidden_states": hidden_states, "weight": weight}


def reference(hidden_states, weight):
    bsz, seq_len, h = hidden_states.shape
    x = hidden_states.reshape(-1, h).astype(jnp.float32)
    logits = x @ weight.astype(jnp.float32).T
    scores = jax.nn.softmax(logits, axis=-1)
    topk_weight, topk_idx = jax.lax.top_k(scores, TOP_K)
    if TOP_K > 1 and NORM_TOPK_PROB:
        denominator = jnp.sum(topk_weight, axis=-1, keepdims=True) + 1e-20
        topk_weight = topk_weight / denominator * ROUTED_SCALING_FACTOR
    else:
        topk_weight = topk_weight * ROUTED_SCALING_FACTOR
    return (topk_idx, topk_weight)

if __name__ == "__main__":
    import jax
    _d = setup_inputs()
    print(jax.jit(kernel)(*tuple(_d.values())))

</pallas_src>

<mosaic_0001>
#map = affine_map<(d0, d1) -> (0, 0)>
#map1 = affine_map<(d0, d1) -> (0)>
module attributes {stable_mosaic.version = 14 : i64} {
  func.func @_route_body(%arg0: i32, %arg1: i32, %arg2: memref<8x28672xf32, #tpu.memory_space<hbm>>, %arg3: memref<28672xi32, #tpu.memory_space<hbm>>, %arg4: memref<28672xi32, #tpu.memory_space<hbm>>, %arg5: memref<28672xf32, #tpu.memory_space<hbm>>, %arg6: memref<28672xf32, #tpu.memory_space<hbm>>, %arg7: memref<8x896xf32, #tpu.memory_space<vmem>>, %arg8: memref<896xi32, #tpu.memory_space<vmem>>, %arg9: memref<896xi32, #tpu.memory_space<vmem>>, %arg10: memref<896xf32, #tpu.memory_space<vmem>>, %arg11: memref<896xf32, #tpu.memory_space<vmem>>) attributes {dimension_semantics = [#tpu.dimension_semantics<core_parallel>, #tpu.dimension_semantics<subcore_parallel>], iteration_bounds = array<i64: 2, 16>, scalar_prefetch = 0 : i64, scratch_operands = 5 : i64, tpu.core_type = #tpu.core_type<sc_vector_subcore>, window_params = [{transform_indices = #map}, {transform_indices = #map1}, {transform_indices = #map1}, {transform_indices = #map1}, {transform_indices = #map1}]} {
    %mul3A = arith.constant 2 : i32
    %mul3A_0 = arith.muli %arg1, %mul3A : i32
    %add3A = arith.addi %mul3A_0, %arg0 : i32
    %mul3A_1 = arith.constant 896 : i32
    %mul3A_2 = arith.muli %add3A, %mul3A_1 : i32
    "tpu.region"() ({
      %run_scoped3A = tpu.sem_alloc : memref<!tpu.dma_semaphore, #tpu.memory_space<semaphore_mem>>
      %dma_start3A = arith.constant 0 : i32
      %dma_start3A_8 = tpu.memref_slice %arg2[%dma_start3A, %mul3A_2] : memref<8x28672xf32, #tpu.memory_space<hbm>> -> memref<8x896xf32, #tpu.memory_space<hbm>>
      %dma_start3A_9 = arith.constant 0 : i32
      %dma_start3A_10 = tpu.memref_slice %arg2[%dma_start3A_9, %mul3A_2] : memref<8x28672xf32, #tpu.memory_space<hbm>> -> memref<8x896xf32, #tpu.memory_space<hbm>>
      tpu.enqueue_dma source(%dma_start3A_10 : memref<8x896xf32, #tpu.memory_space<hbm>>) target(%arg7 : memref<8x896xf32, #tpu.memory_space<vmem>>) target_semaphore(%run_scoped3A : memref<!tpu.dma_semaphore, #tpu.memory_space<semaphore_mem>>)
      %dma_wait3A = arith.constant 0 : i32
      %dma_wait3A_11 = tpu.memref_slice %arg2[%dma_wait3A, %mul3A_2] : memref<8x28672xf32, #tpu.memory_space<hbm>> -> memref<8x896xf32, #tpu.memory_space<hbm>>
      %dma_wait3A_12 = arith.constant 0 : i32
      %dma_wait3A_13 = tpu.memref_slice %arg2[%dma_wait3A_12, %mul3A_2] : memref<8x28672xf32, #tpu.memory_space<hbm>> -> memref<8x896xf32, #tpu.memory_space<hbm>>
      tpu.wait_dma2 semaphore(%run_scoped3A : memref<!tpu.dma_semaphore, #tpu.memory_space<semaphore_mem>>) src(%dma_wait3A_13 : memref<8x896xf32, #tpu.memory_space<hbm>>) dst(%arg7 : memref<8x896xf32, #tpu.memory_space<vmem>>)
      tpu.yield
    }) : () -> ()
    %scan3A = arith.constant 0 : i32
    %scan3A_3 = arith.constant 0 : i32
    %scan3A_4 = arith.constant 56 : i32
    %scan3A_5 = arith.addi %scan3A_3, %scan3A_4 : i32
    %scan3A_6 = arith.constant 1 : i32
    scf.for %scan3A_8 = %scan3A_3 to %scan3A_5 step %scan3A_6  : i32 {
      %mul3A_9 = arith.constant 16 : i32
      %mul3A_10 = arith.muli %scan3A_8, %mul3A_9 : i32
      %get3A = arith.constant 0 : i32
      %get3A_11 = arith.index_cast %get3A : i32 to index
      %get3A_12 = arith.index_cast %mul3A_10 : i32 to index
      %get3A_13 = tpu.vector_load %arg7[%get3A_11, %get3A_12] {strides = array<i32>} : memref<8x896xf32, #tpu.memory_space<vmem>>, vector<16xf32>,
      %get3A_14 = arith.constant 1 : i32
      %get3A_15 = arith.index_cast %get3A_14 : i32 to index
      %get3A_16 = arith.index_cast %mul3A_10 : i32 to index
      %get3A_17 = tpu.vector_load %arg7[%get3A_15, %get3A_16] {strides = array<i32>} : memref<8x896xf32, #tpu.memory_space<vmem>>, vector<16xf32>,
      %get3A_18 = arith.constant 2 : i32
      %get3A_19 = arith.index_cast %get3A_18 : i32 to index
      %get3A_20 = arith.index_cast %mul3A_10 : i32 to index
      %get3A_21 = tpu.vector_load %arg7[%get3A_19, %get3A_20] {strides = array<i32>} : memref<8x896xf32, #tpu.memory_space<vmem>>, vector<16xf32>,
      %get3A_22 = arith.constant 3 : i32
      %get3A_23 = arith.index_cast %get3A_22 : i32 to index
      %get3A_24 = arith.index_cast %mul3A_10 : i32 to index
      %get3A_25 = tpu.vector_load %arg7[%get3A_23, %get3A_24] {strides = array<i32>} : memref<8x896xf32, #tpu.memory_space<vmem>>, vector<16xf32>,
      %get3A_26 = arith.constant 4 : i32
      %get3A_27 = arith.index_cast %get3A_26 : i32 to index
      %get3A_28 = arith.index_cast %mul3A_10 : i32 to index
      %get3A_29 = tpu.vector_load %arg7[%get3A_27, %get3A_28] {strides = array<i32>} : memref<8x896xf32, #tpu.memory_space<vmem>>, vector<16xf32>,
      %get3A_30 = arith.constant 5 : i32
      %get3A_31 = arith.index_cast %get3A_30 : i32 to index
      %get3A_32 = arith.index_cast %mul3A_10 : i32 to index
      %get3A_33 = tpu.vector_load %arg7[%get3A_31, %get3A_32] {strides = array<i32>} : memref<8x896xf32, #tpu.memory_space<vmem>>, vector<16xf32>,
      %get3A_34 = arith.constant 6 : i32
      %get3A_35 = arith.index_cast %get3A_34 : i32 to index
      %get3A_36 = arith.index_cast %mul3A_10 : i32 to index
      %get3A_37 = tpu.vector_load %arg7[%get3A_35, %get3A_36] {strides = array<i32>} : memref<8x896xf32, #tpu.memory_space<vmem>>, vector<16xf32>,
      %get3A_38 = arith.constant 7 : i32
      %get3A_39 = arith.index_cast %get3A_38 : i32 to index
      %get3A_40 = arith.index_cast %mul3A_10 : i32 to index
      %get3A_41 = tpu.vector_load %arg7[%get3A_39, %get3A_40] {strides = array<i32>} : memref<8x896xf32, #tpu.memory_space<vmem>>, vector<16xf32>,
      %max3A = arith.maximumf %get3A_13, %get3A_17 : vector<16xf32>
      %max3A_42 = arith.maximumf %max3A, %get3A_21 : vector<16xf32>
      %max3A_43 = arith.maximumf %max3A_42, %get3A_25 : vector<16xf32>
      %max3A_44 = arith.maximumf %max3A_43, %get3A_29 : vector<16xf32>
      %max3A_45 = arith.maximumf %max3A_44, %get3A_33 : vector<16xf32>
      %max3A_46 = arith.maximumf %max3A_45, %get3A_37 : vector<16xf32>
      %max3A_47 = arith.maximumf %max3A_46, %get3A_41 : vector<16xf32>
      %sub3A = arith.subf %get3A_13, %max3A_47 : vector<16xf32>
      %exp3A = math.exp %sub3A : vector<16xf32>
      %sub3A_48 = arith.subf %get3A_17, %max3A_47 : vector<16xf32>
      %exp3A_49 = math.exp %sub3A_48 : vector<16xf32>
      %sub3A_50 = arith.subf %get3A_21, %max3A_47 : vector<16xf32>
      %exp3A_51 = math.exp %sub3A_50 : vector<16xf32>
      %sub3A_52 = arith.subf %get3A_25, %max3A_47 : vector<16xf32>
      %exp3A_53 = math.exp %sub3A_52 : vector<16xf32>
      %sub3A_54 = arith.subf %get3A_29, %max3A_47 : vector<16xf32>
      %exp3A_55 = math.exp %sub3A_54 : vector<16xf32>
      %sub3A_56 = arith.subf %get3A_33, %max3A_47 : vector<16xf32>
      %exp3A_57 = math.exp %sub3A_56 : vector<16xf32>
      %sub3A_58 = arith.subf %get3A_37, %max3A_47 : vector<16xf32>
      %exp3A_59 = math.exp %sub3A_58 : vector<16xf32>
      %sub3A_60 = arith.subf %get3A_41, %max3A_47 : vector<16xf32>
      %exp3A_61 = math.exp %sub3A_60 : vector<16xf32>
      %add3A_62 = arith.addf %exp3A, %exp3A_49 : vector<16xf32>
      %add3A_63 = arith.addf %add3A_62, %exp3A_51 : vector<16xf32>
      %add3A_64 = arith.addf %add3A_63, %exp3A_53 : vector<16xf32>
      %add3A_65 = arith.addf %add3A_64, %exp3A_55 : vector<16xf32>
      %add3A_66 = arith.addf %add3A_65, %exp3A_57 : vector<16xf32>
      %add3A_67 = arith.addf %add3A_66, %exp3A_59 : vector<16xf32>
      %add3A_68 = arith.addf %add3A_67, %exp3A_61 : vector<16xf32>
      %max3A_69 = arith.maximumf %exp3A, %exp3A_49 : vector<16xf32>
      %max3A_70 = arith.maximumf %max3A_69, %exp3A_51 : vector<16xf32>
      %max3A_71 = arith.maximumf %max3A_70, %exp3A_53 : vector<16xf32>
      %max3A_72 = arith.maximumf %max3A_71, %exp3A_55 : vector<16xf32>
      %max3A_73 = arith.maximumf %max3A_72, %exp3A_57 : vector<16xf32>
      %max3A_74 = arith.maximumf %max3A_73, %exp3A_59 : vector<16xf32>
      %max3A_75 = arith.maximumf %max3A_74, %exp3A_61 : vector<16xf32>
      %broadcast_in_dim3A = arith.constant 7 : i32
      %broadcast_in_dim3A_76 = vector.broadcast %broadcast_in_dim3A : i32 to vector<16xi32>
      %eq3A = arith.cmpf oeq, %exp3A_61, %max3A_75 : vector<16xf32>
      %broadcast_in_dim3A_77 = arith.constant 7 : i32
      %broadcast_in_dim3A_78 = vector.broadcast %broadcast_in_dim3A_77 : i32 to vector<16xi32>
      %select_n3A = arith.select %eq3A, %broadcast_in_dim3A_78, %broadcast_in_dim3A_76 : vector<16xi1>, vector<16xi32>
      %eq3A_79 = arith.cmpf oeq, %exp3A_59, %max3A_75 : vector<16xf32>
      %broadcast_in_dim3A_80 = arith.constant 6 : i32
      %broadcast_in_dim3A_81 = vector.broadcast %broadcast_in_dim3A_80 : i32 to vector<16xi32>
      %select_n3A_82 = arith.select %eq3A_79, %broadcast_in_dim3A_81, %select_n3A : vector<16xi1>, vector<16xi32>
      %eq3A_83 = arith.cmpf oeq, %exp3A_57, %max3A_75 : vector<16xf32>
      %broadcast_in_dim3A_84 = arith.constant 5 : i32
      %broadcast_in_dim3A_85 = vector.broadcast %broadcast_in_dim3A_84 : i32 to vector<16xi32>
      %select_n3A_86 = arith.select %eq3A_83, %broadcast_in_dim3A_85, %select_n3A_82 : vector<16xi1>, vector<16xi32>
      %eq3A_87 = arith.cmpf oeq, %exp3A_55, %max3A_75 : vector<16xf32>
      %broadcast_in_dim3A_88 = arith.constant 4 : i32
      %broadcast_in_dim3A_89 = vector.broadcast %broadcast_in_dim3A_88 : i32 to vector<16xi32>
      %select_n3A_90 = arith.select %eq3A_87, %broadcast_in_dim3A_89, %select_n3A_86 : vector<16xi1>, vector<16xi32>
      %eq3A_91 = arith.cmpf oeq, %exp3A_53, %max3A_75 : vector<16xf32>
      %broadcast_in_dim3A_92 = arith.constant 3 : i32
      %broadcast_in_dim3A_93 = vector.broadcast %broadcast_in_dim3A_92 : i32 to vector<16xi32>
      %select_n3A_94 = arith.select %eq3A_91, %broadcast_in_dim3A_93, %select_n3A_90 : vector<16xi1>, vector<16xi32>
      %eq3A_95 = arith.cmpf oeq, %exp3A_51, %max3A_75 : vector<16xf32>
      %broadcast_in_dim3A_96 = arith.constant 2 : i32
      %broadcast_in_dim3A_97 = vector.broadcast %broadcast_in_dim3A_96 : i32 to vector<16xi32>
      %select_n3A_98 = arith.select %eq3A_95, %broadcast_in_dim3A_97, %select_n3A_94 : vector<16xi1>, vector<16xi32>
      %eq3A_99 = arith.cmpf oeq, %exp3A_49, %max3A_75 : vector<16xf32>
      %broadcast_in_dim3A_100 = arith.constant 1 : i32
      %broadcast_in_dim3A_101 = vector.broadcast %broadcast_in_dim3A_100 : i32 to vector<16xi32>
      %select_n3A_102 = arith.select %eq3A_99, %broadcast_in_dim3A_101, %select_n3A_98 : vector<16xi1>, vector<16xi32>
      %eq3A_103 = arith.cmpf oeq, %exp3A, %max3A_75 : vector<16xf32>
      %broadcast_in_dim3A_104 = arith.constant 0 : i32
      %broadcast_in_dim3A_105 = vector.broadcast %broadcast_in_dim3A_104 : i32 to vector<16xi32>
      %select_n3A_106 = arith.select %eq3A_103, %broadcast_in_dim3A_105, %select_n3A_102 : vector<16xi1>, vector<16xi32>
      %broadcast_in_dim3A_107 = arith.constant 0 : i32
      %broadcast_in_dim3A_108 = vector.broadcast %broadcast_in_dim3A_107 : i32 to vector<16xi32>
      %eq3A_109 = arith.cmpi eq, %select_n3A_106, %broadcast_in_dim3A_108 : vector<16xi32>
      %broadcast_in_dim3A_110 = arith.constant -1.000000e+00 : f32
      %broadcast_in_dim3A_111 = vector.broadcast %broadcast_in_dim3A_110 : f32 to vector<16xf32>
      %select_n3A_112 = arith.select %eq3A_109, %broadcast_in_dim3A_111, %exp3A : vector<16xi1>, vector<16xf32>
      %broadcast_in_dim3A_113 = arith.constant 1 : i32
      %broadcast_in_dim3A_114 = vector.broadcast %broadcast_in_dim3A_113 : i32 to vector<16xi32>
      %eq3A_115 = arith.cmpi eq, %select_n3A_106, %broadcast_in_dim3A_114 : vector<16xi32>
      %broadcast_in_dim3A_116 = arith.constant -1.000000e+00 : f32
      %broadcast_in_dim3A_117 = vector.broadcast %broadcast_in_dim3A_116 : f32 to vector<16xf32>
      %select_n3A_118 = arith.select %eq3A_115, %broadcast_in_dim3A_117, %exp3A_49 : vector<16xi1>, vector<16xf32>
      %broadcast_in_dim3A_119 = arith.constant 2 : i32
      %broadcast_in_dim3A_120 = vector.broadcast %broadcast_in_dim3A_119 : i32 to vector<16xi32>
      %eq3A_121 = arith.cmpi eq, %select_n3A_106, %broadcast_in_dim3A_120 : vector<16xi32>
      %broadcast_in_dim3A_122 = arith.constant -1.000000e+00 : f32
      %broadcast_in_dim3A_123 = vector.broadcast %broadcast_in_dim3A_122 : f32 to vector<16xf32>
      %select_n3A_124 = arith.select %eq3A_121, %broadcast_in_dim3A_123, %exp3A_51 : vector<16xi1>, vector<16xf32>
      %broadcast_in_dim3A_125 = arith.constant 3 : i32
      %broadcast_in_dim3A_126 = vector.broadcast %broadcast_in_dim3A_125 : i32 to vector<16xi32>
      %eq3A_127 = arith.cmpi eq, %select_n3A_106, %broadcast_in_dim3A_126 : vector<16xi32>
      %broadcast_in_dim3A_128 = arith.constant -1.000000e+00 : f32
      %broadcast_in_dim3A_129 = vector.broadcast %broadcast_in_dim3A_128 : f32 to vector<16xf32>
      %select_n3A_130 = arith.select %eq3A_127, %broadcast_in_dim3A_129, %exp3A_53 : vector<16xi1>, vector<16xf32>
      %broadcast_in_dim3A_131 = arith.constant 4 : i32
      %broadcast_in_dim3A_132 = vector.broadcast %broadcast_in_dim3A_131 : i32 to vector<16xi32>
      %eq3A_133 = arith.cmpi eq, %select_n3A_106, %broadcast_in_dim3A_132 : vector<16xi32>
      %broadcast_in_dim3A_134 = arith.constant -1.000000e+00 : f32
      %broadcast_in_dim3A_135 = vector.broadcast %broadcast_in_dim3A_134 : f32 to vector<16xf32>
      %select_n3A_136 = arith.select %eq3A_133, %broadcast_in_dim3A_135, %exp3A_55 : vector<16xi1>, vector<16xf32>
      %broadcast_in_dim3A_137 = arith.constant 5 : i32
      %broadcast_in_dim3A_138 = vector.broadcast %broadcast_in_dim3A_137 : i32 to vector<16xi32>
      %eq3A_139 = arith.cmpi eq, %select_n3A_106, %broadcast_in_dim3A_138 : vector<16xi32>
      %broadcast_in_dim3A_140 = arith.constant -1.000000e+00 : f32
      %broadcast_in_dim3A_141 = vector.broadcast %broadcast_in_dim3A_140 : f32 to vector<16xf32>
      %select_n3A_142 = arith.select %eq3A_139, %broadcast_in_dim3A_141, %exp3A_57 : vector<16xi1>, vector<16xf32>
      %broadcast_in_dim3A_143 = arith.constant 6 : i32
      %broadcast_in_dim3A_144 = vector.broadcast %broadcast_in_dim3A_143 : i32 to vector<16xi32>
      %eq3A_145 = arith.cmpi eq, %select_n3A_106, %broadcast_in_dim3A_144 : vector<16xi32>
      %broadcast_in_dim3A_146 = arith.constant -1.000000e+00 : f32
      %broadcast_in_dim3A_147 = vector.broadcast %broadcast_in_dim3A_146 : f32 to vector<16xf32>
      %select_n3A_148 = arith.select %eq3A_145, %broadcast_in_dim3A_147, %exp3A_59 : vector<16xi1>, vector<16xf32>
      %broadcast_in_dim3A_149 = arith.constant 7 : i32
      %broadcast_in_dim3A_150 = vector.broadcast %broadcast_in_dim3A_149 : i32 to vector<16xi32>
      %eq3A_151 = arith.cmpi eq, %select_n3A_106, %broadcast_in_dim3A_150 : vector<16xi32>
      %broadcast_in_dim3A_152 = arith.constant -1.000000e+00 : f32
      %broadcast_in_dim3A_153 = vector.broadcast %broadcast_in_dim3A_152 : f32 to vector<16xf32>
      %select_n3A_154 = arith.select %eq3A_151, %broadcast_in_dim3A_153, %exp3A_61 : vector<16xi1>, vector<16xf32>
      %max3A_155 = arith.maximumf %select_n3A_112, %select_n3A_118 : vector<16xf32>
      %max3A_156 = arith.maximumf %max3A_155, %select_n3A_124 : vector<16xf32>
      %max3A_157 = arith.maximumf %max3A_156, %select_n3A_130 : vector<16xf32>
      %max3A_158 = arith.maximumf %max3A_157, %select_n3A_136 : vector<16xf32>
      %max3A_159 = arith.maximumf %max3A_158, %select_n3A_142 : vector<16xf32>
      %max3A_160 = arith.maximumf %max3A_159, %select_n3A_148 : vector<16xf32>
      %max3A_161 = arith.maximumf %max3A_160, %select_n3A_154 : vector<16xf32>
      %broadcast_in_dim3A_162 = arith.constant 7 : i32
      %broadcast_in_dim3A_163 = vector.broadcast %broadcast_in_dim3A_162 : i32 to vector<16xi32>
      %eq3A_164 = arith.cmpf oeq, %select_n3A_154, %max3A_161 : vector<16xf32>
      %broadcast_in_dim3A_165 = arith.constant 7 : i32
      %broadcast_in_dim3A_166 = vector.broadcast %broadcast_in_dim3A_165 : i32 to vector<16xi32>
      %select_n3A_167 = arith.select %eq3A_164, %broadcast_in_dim3A_166, %broadcast_in_dim3A_163 : vector<16xi1>, vector<16xi32>
      %eq3A_168 = arith.cmpf oeq, %select_n3A_148, %max3A_161 : vector<16xf32>
      %broadcast_in_dim3A_169 = arith.constant 6 : i32
      %broadcast_in_dim3A_170 = vector.broadcast %broadcast_in_dim3A_169 : i32 to vector<16xi32>
      %select_n3A_171 = arith.select %eq3A_168, %broadcast_in_dim3A_170, %select_n3A_167 : vector<16xi1>, vector<16xi32>
      %eq3A_172 = arith.cmpf oeq, %select_n3A_142, %max3A_161 : vector<16xf32>
      %broadcast_in_dim3A_173 = arith.constant 5 : i32
      %broadcast_in_dim3A_174 = vector.broadcast %broadcast_in_dim3A_173 : i32 to vector<16xi32>
      %select_n3A_175 = arith.select %eq3A_172, %broadcast_in_dim3A_174, %select_n3A_171 : vector<16xi1>, vector<16xi32>
      %eq3A_176 = arith.cmpf oeq, %select_n3A_136, %max3A_161 : vector<16xf32>
      %broadcast_in_dim3A_177 = arith.constant 4 : i32
      %broadcast_in_dim3A_178 = vector.broadcast %broadcast_in_dim3A_177 : i32 to vector<16xi32>
      %select_n3A_179 = arith.select %eq3A_176, %broadcast_in_dim3A_178, %select_n3A_175 : vector<16xi1>, vector<16xi32>
      %eq3A_180 = arith.cmpf oeq, %select_n3A_130, %max3A_161 : vector<16xf32>
      %broadcast_in_dim3A_181 = arith.constant 3 : i32
      %broadcast_in_dim3A_182 = vector.broadcast %broadcast_in_dim3A_181 : i32 to vector<16xi32>
      %select_n3A_183 = arith.select %eq3A_180, %broadcast_in_dim3A_182, %select_n3A_179 : vector<16xi1>, vector<16xi32>
      %eq3A_184 = arith.cmpf oeq, %select_n3A_124, %max3A_161 : vector<16xf32>
      %broadcast_in_dim3A_185 = arith.constant 2 : i32
      %broadcast_in_dim3A_186 = vector.broadcast %broadcast_in_dim3A_185 : i32 to vector<16xi32>
      %select_n3A_187 = arith.select %eq3A_184, %broadcast_in_dim3A_186, %select_n3A_183 : vector<16xi1>, vector<16xi32>
      %eq3A_188 = arith.cmpf oeq, %select_n3A_118, %max3A_161 : vector<16xf32>
      %broadcast_in_dim3A_189 = arith.constant 1 : i32
      %broadcast_in_dim3A_190 = vector.broadcast %broadcast_in_dim3A_189 : i32 to vector<16xi32>
      %select_n3A_191 = arith.select %eq3A_188, %broadcast_in_dim3A_190, %select_n3A_187 : vector<16xi1>, vector<16xi32>
      %eq3A_192 = arith.cmpf oeq, %select_n3A_112, %max3A_161 : vector<16xf32>
      %broadcast_in_dim3A_193 = arith.constant 0 : i32
      %broadcast_in_dim3A_194 = vector.broadcast %broadcast_in_dim3A_193 : i32 to vector<16xi32>
      %select_n3A_195 = arith.select %eq3A_192, %broadcast_in_dim3A_194, %select_n3A_191 : vector<16xi1>, vector<16xi32>
      %swap3A = arith.index_cast %mul3A_10 : i32 to index
      %swap3A_196 = tpu.vector_load %arg8[%swap3A] {strides = array<i32>} : memref<896xi32, #tpu.memory_space<vmem>>, vector<16xi32>,
      tpu.vector_store %arg8[%swap3A], %select_n3A_106 {strides = array<i32>} : memref<896xi32, #tpu.memory_space<vmem>>, vector<16xi32>,
      %swap3A_197 = arith.index_cast %mul3A_10 : i32 to index
      %swap3A_198 = tpu.vector_load %arg9[%swap3A_197] {strides = array<i32>} : memref<896xi32, #tpu.memory_space<vmem>>, vector<16xi32>,
      tpu.vector_store %arg9[%swap3A_197], %select_n3A_195 {strides = array<i32>} : memref<896xi32, #tpu.memory_space<vmem>>, vector<16xi32>,
      %div3A = arith.divf %max3A_75, %add3A_68 : vector<16xf32>
      %swap3A_199 = arith.index_cast %mul3A_10 : i32 to index
      %swap3A_200 = tpu.vector_load %arg10[%swap3A_199] {strides = array<i32>} : memref<896xf32, #tpu.memory_space<vmem>>, vector<16xf32>,
      tpu.vector_store %arg10[%swap3A_199], %div3A {strides = array<i32>} : memref<896xf32, #tpu.memory_space<vmem>>, vector<16xf32>,
      %div3A_201 = arith.divf %max3A_161, %add3A_68 : vector<16xf32>
      %swap3A_202 = arith.index_cast %mul3A_10 : i32 to index
      %swap3A_203 = tpu.vector_load %arg11[%swap3A_202] {strides = array<i32>} : memref<896xf32, #tpu.memory_space<vmem>>, vector<16xf32>,
      tpu.vector_store %arg11[%swap3A_202], %div3A_201 {strides = array<i32>} : memref<896xf32, #tpu.memory_space<vmem>>, vector<16xf32>,
    }
    %scan3A_7 = arith.constant 56 : i32
    "tpu.region"() ({
      %run_scoped3A = tpu.sem_alloc : memref<!tpu.dma_semaphore, #tpu.memory_space<semaphore_mem>>
      %dma_start3A = tpu.memref_slice %arg3[%mul3A_2] : memref<28672xi32, #tpu.memory_space<hbm>> -> memref<896xi32, #tpu.memory_space<hbm>>
      %dma_start3A_8 = tpu.memref_slice %arg3[%mul3A_2] : memref<28672xi32, #tpu.memory_space<hbm>> -> memref<896xi32, #tpu.memory_space<hbm>>
      tpu.enqueue_dma source(%arg8 : memref<896xi32, #tpu.memory_space<vmem>>) target(%dma_start3A_8 : memref<896xi32, #tpu.memory_space<hbm>>) target_semaphore(%run_scoped3A : memref<!tpu.dma_semaphore, #tpu.memory_space<semaphore_mem>>)
      %dma_wait3A = tpu.memref_slice %arg3[%mul3A_2] : memref<28672xi32, #tpu.memory_space<hbm>> -> memref<896xi32, #tpu.memory_space<hbm>>
      %dma_wait3A_9 = tpu.memref_slice %arg3[%mul3A_2] : memref<28672xi32, #tpu.memory_space<hbm>> -> memref<896xi32, #tpu.memory_space<hbm>>
      tpu.wait_dma2 semaphore(%run_scoped3A : memref<!tpu.dma_semaphore, #tpu.memory_space<semaphore_mem>>) src(%arg8 : memref<896xi32, #tpu.memory_space<vmem>>) dst(%dma_wait3A_9 : memref<896xi32, #tpu.memory_space<hbm>>)
      tpu.yield
    }) : () -> ()
    "tpu.region"() ({
      %run_scoped3A = tpu.sem_alloc : memref<!tpu.dma_semaphore, #tpu.memory_space<semaphore_mem>>
      %dma_start3A = tpu.memref_slice %arg4[%mul3A_2] : memref<28672xi32, #tpu.memory_space<hbm>> -> memref<896xi32, #tpu.memory_space<hbm>>
      %dma_start3A_8 = tpu.memref_slice %arg4[%mul3A_2] : memref<28672xi32, #tpu.memory_space<hbm>> -> memref<896xi32, #tpu.memory_space<hbm>>
      tpu.enqueue_dma source(%arg9 : memref<896xi32, #tpu.memory_space<vmem>>) target(%dma_start3A_8 : memref<896xi32, #tpu.memory_space<hbm>>) target_semaphore(%run_scoped3A : memref<!tpu.dma_semaphore, #tpu.memory_space<semaphore_mem>>)
      %dma_wait3A = tpu.memref_slice %arg4[%mul3A_2] : memref<28672xi32, #tpu.memory_space<hbm>> -> memref<896xi32, #tpu.memory_space<hbm>>
      %dma_wait3A_9 = tpu.memref_slice %arg4[%mul3A_2] : memref<28672xi32, #tpu.memory_space<hbm>> -> memref<896xi32, #tpu.memory_space<hbm>>
      tpu.wait_dma2 semaphore(%run_scoped3A : memref<!tpu.dma_semaphore, #tpu.memory_space<semaphore_mem>>) src(%arg9 : memref<896xi32, #tpu.memory_space<vmem>>) dst(%dma_wait3A_9 : memref<896xi32, #tpu.memory_space<hbm>>)
      tpu.yield
    }) : () -> ()
    "tpu.region"() ({
      %run_scoped3A = tpu.sem_alloc : memref<!tpu.dma_semaphore, #tpu.memory_space<semaphore_mem>>
      %dma_start3A = tpu.memref_slice %arg5[%mul3A_2] : memref<28672xf32, #tpu.memory_space<hbm>> -> memref<896xf32, #tpu.memory_space<hbm>>
      %dma_start3A_8 = tpu.memref_slice %arg5[%mul3A_2] : memref<28672xf32, #tpu.memory_space<hbm>> -> memref<896xf32, #tpu.memory_space<hbm>>
      tpu.enqueue_dma source(%arg10 : memref<896xf32, #tpu.memory_space<vmem>>) target(%dma_start3A_8 : memref<896xf32, #tpu.memory_space<hbm>>) target_semaphore(%run_scoped3A : memref<!tpu.dma_semaphore, #tpu.memory_space<semaphore_mem>>)
      %dma_wait3A = tpu.memref_slice %arg5[%mul3A_2] : memref<28672xf32, #tpu.memory_space<hbm>> -> memref<896xf32, #tpu.memory_space<hbm>>
      %dma_wait3A_9 = tpu.memref_slice %arg5[%mul3A_2] : memref<28672xf32, #tpu.memory_space<hbm>> -> memref<896xf32, #tpu.memory_space<hbm>>
      tpu.wait_dma2 semaphore(%run_scoped3A : memref<!tpu.dma_semaphore, #tpu.memory_space<semaphore_mem>>) src(%arg10 : memref<896xf32, #tpu.memory_space<vmem>>) dst(%dma_wait3A_9 : memref<896xf32, #tpu.memory_space<hbm>>)
      tpu.yield
    }) : () -> ()
    "tpu.region"() ({
      %run_scoped3A = tpu.sem_alloc : memref<!tpu.dma_semaphore, #tpu.memory_space<semaphore_mem>>
      %dma_start3A = tpu.memref_slice %arg6[%mul3A_2] : memref<28672xf32, #tpu.memory_space<hbm>> -> memref<896xf32, #tpu.memory_space<hbm>>
      %dma_start3A_8 = tpu.memref_slice %arg6[%mul3A_2] : memref<28672xf32, #tpu.memory_space<hbm>> -> memref<896xf32, #tpu.memory_space<hbm>>
      tpu.enqueue_dma source(%arg11 : memref<896xf32, #tpu.memory_space<vmem>>) target(%dma_start3A_8 : memref<896xf32, #tpu.memory_space<hbm>>) target_semaphore(%run_scoped3A : memref<!tpu.dma_semaphore, #tpu.memory_space<semaphore_mem>>)
      %dma_wait3A = tpu.memref_slice %arg6[%mul3A_2] : memref<28672xf32, #tpu.memory_space<hbm>> -> memref<896xf32, #tpu.memory_space<hbm>>
      %dma_wait3A_9 = tpu.memref_slice %arg6[%mul3A_2] : memref<28672xf32, #tpu.memory_space<hbm>> -> memref<896xf32, #tpu.memory_space<hbm>>
      tpu.wait_dma2 semaphore(%run_scoped3A : memref<!tpu.dma_semaphore, #tpu.memory_space<semaphore_mem>>) src(%arg11 : memref<896xf32, #tpu.memory_space<vmem>>) dst(%dma_wait3A_9 : memref<896xf32, #tpu.memory_space<hbm>>)
      tpu.yield
    }) : () -> ()
    return
  }
}

#map = affine_map<(d0, d1) -> (0, 0)>
#map1 = affine_map<(d0, d1) -> (0)>
module attributes {stable_mosaic.version = 14 : i64} {
  func.func @_route_body(%arg0: i32, %arg1: i32, %arg2: memref<8x4096xf32, #tpu.memory_space<hbm>>, %arg3: memref<4096xi32, #tpu.memory_space<hbm>>, %arg4: memref<4096xi32, #tpu.memory_space<hbm>>, %arg5: memref<4096xf32, #tpu.memory_space<hbm>>, %arg6: memref<4096xf32, #tpu.memory_space<hbm>>, %arg7: memref<8x128xf32, #tpu.memory_space<vmem>>, %arg8: memref<128xi32, #tpu.memory_space<vmem>>, %arg9: memref<128xi32, #tpu.memory_space<vmem>>, %arg10: memref<128xf32, #tpu.memory_space<vmem>>, %arg11: memref<128xf32, #tpu.memory_space<vmem>>) attributes {dimension_semantics = [#tpu.dimension_semantics<core_parallel>, #tpu.dimension_semantics<subcore_parallel>], iteration_bounds = array<i64: 2, 16>, scalar_prefetch = 0 : i64, scratch_operands = 5 : i64, tpu.core_type = #tpu.core_type<sc_vector_subcore>, window_params = [{transform_indices = #map}, {transform_indices = #map1}, {transform_indices = #map1}, {transform_indices = #map1}, {transform_indices = #map1}]} {
    %mul3A = arith.constant 2 : i32
    %mul3A_0 = arith.muli %arg1, %mul3A : i32
    %add3A = arith.addi %mul3A_0, %arg0 : i32
    %mul3A_1 = arith.constant 128 : i32
    %mul3A_2 = arith.muli %add3A, %mul3A_1 : i32
    "tpu.region"() ({
      %run_scoped3A = tpu.sem_alloc : memref<!tpu.dma_semaphore, #tpu.memory_space<semaphore_mem>>
      %dma_start3A = arith.constant 0 : i32
      %dma_start3A_8 = tpu.memref_slice %arg2[%dma_start3A, %mul3A_2] : memref<8x4096xf32, #tpu.memory_space<hbm>> -> memref<8x128xf32, #tpu.memory_space<hbm>>
      %dma_start3A_9 = arith.constant 0 : i32
      %dma_start3A_10 = tpu.memref_slice %arg2[%dma_start3A_9, %mul3A_2] : memref<8x4096xf32, #tpu.memory_space<hbm>> -> memref<8x128xf32, #tpu.memory_space<hbm>>
      tpu.enqueue_dma source(%dma_start3A_10 : memref<8x128xf32, #tpu.memory_space<hbm>>) target(%arg7 : memref<8x128xf32, #tpu.memory_space<vmem>>) target_semaphore(%run_scoped3A : memref<!tpu.dma_semaphore, #tpu.memory_space<semaphore_mem>>)
      %dma_wait3A = arith.constant 0 : i32
      %dma_wait3A_11 = tpu.memref_slice %arg2[%dma_wait3A, %mul3A_2] : memref<8x4096xf32, #tpu.memory_space<hbm>> -> memref<8x128xf32, #tpu.memory_space<hbm>>
      %dma_wait3A_12 = arith.constant 0 : i32
      %dma_wait3A_13 = tpu.memref_slice %arg2[%dma_wait3A_12, %mul3A_2] : memref<8x4096xf32, #tpu.memory_space<hbm>> -> memref<8x128xf32, #tpu.memory_space<hbm>>
      tpu.wait_dma2 semaphore(%run_scoped3A : memref<!tpu.dma_semaphore, #tpu.memory_space<semaphore_mem>>) src(%dma_wait3A_13 : memref<8x128xf32, #tpu.memory_space<hbm>>) dst(%arg7 : memref<8x128xf32, #tpu.memory_space<vmem>>)
      tpu.yield
    }) : () -> ()
    %scan3A = arith.constant 0 : i32
    %scan3A_3 = arith.constant 0 : i32
    %scan3A_4 = arith.constant 8 : i32
    %scan3A_5 = arith.addi %scan3A_3, %scan3A_4 : i32
    %scan3A_6 = arith.constant 1 : i32
    scf.for %scan3A_8 = %scan3A_3 to %scan3A_5 step %scan3A_6  : i32 {
      %mul3A_9 = arith.constant 16 : i32
      %mul3A_10 = arith.muli %scan3A_8, %mul3A_9 : i32
      %get3A = arith.constant 0 : i32
      %get3A_11 = arith.index_cast %get3A : i32 to index
      %get3A_12 = arith.index_cast %mul3A_10 : i32 to index
      %get3A_13 = tpu.vector_load %arg7[%get3A_11, %get3A_12] {strides = array<i32>} : memref<8x128xf32, #tpu.memory_space<vmem>>, vector<16xf32>,
      %get3A_14 = arith.constant 1 : i32
      %get3A_15 = arith.index_cast %get3A_14 : i32 to index
      %get3A_16 = arith.index_cast %mul3A_10 : i32 to index
      %get3A_17 = tpu.vector_load %arg7[%get3A_15, %get3A_16] {strides = array<i32>} : memref<8x128xf32, #tpu.memory_space<vmem>>, vector<16xf32>,
      %get3A_18 = arith.constant 2 : i32
      %get3A_19 = arith.index_cast %get3A_18 : i32 to index
      %get3A_20 = arith.index_cast %mul3A_10 : i32 to index
      %get3A_21 = tpu.vector_load %arg7[%get3A_19, %get3A_20] {strides = array<i32>} : memref<8x128xf32, #tpu.memory_space<vmem>>, vector<16xf32>,
      %get3A_22 = arith.constant 3 : i32
      %get3A_23 = arith.index_cast %get3A_22 : i32 to index
      %get3A_24 = arith.index_cast %mul3A_10 : i32 to index
      %get3A_25 = tpu.vector_load %arg7[%get3A_23, %get3A_24] {strides = array<i32>} : memref<8x128xf32, #tpu.memory_space<vmem>>, vector<16xf32>,
      %get3A_26 = arith.constant 4 : i32
      %get3A_27 = arith.index_cast %get3A_26 : i32 to index
      %get3A_28 = arith.index_cast %mul3A_10 : i32 to index
      %get3A_29 = tpu.vector_load %arg7[%get3A_27, %get3A_28] {strides = array<i32>} : memref<8x128xf32, #tpu.memory_space<vmem>>, vector<16xf32>,
      %get3A_30 = arith.constant 5 : i32
      %get3A_31 = arith.index_cast %get3A_30 : i32 to index
      %get3A_32 = arith.index_cast %mul3A_10 : i32 to index
      %get3A_33 = tpu.vector_load %arg7[%get3A_31, %get3A_32] {strides = array<i32>} : memref<8x128xf32, #tpu.memory_space<vmem>>, vector<16xf32>,
      %get3A_34 = arith.constant 6 : i32
      %get3A_35 = arith.index_cast %get3A_34 : i32 to index
      %get3A_36 = arith.index_cast %mul3A_10 : i32 to index
      %get3A_37 = tpu.vector_load %arg7[%get3A_35, %get3A_36] {strides = array<i32>} : memref<8x128xf32, #tpu.memory_space<vmem>>, vector<16xf32>,
      %get3A_38 = arith.constant 7 : i32
      %get3A_39 = arith.index_cast %get3A_38 : i32 to index
      %get3A_40 = arith.index_cast %mul3A_10 : i32 to index
      %get3A_41 = tpu.vector_load %arg7[%get3A_39, %get3A_40] {strides = array<i32>} : memref<8x128xf32, #tpu.memory_space<vmem>>, vector<16xf32>,
      %max3A = arith.maximumf %get3A_13, %get3A_17 : vector<16xf32>
      %max3A_42 = arith.maximumf %max3A, %get3A_21 : vector<16xf32>
      %max3A_43 = arith.maximumf %max3A_42, %get3A_25 : vector<16xf32>
      %max3A_44 = arith.maximumf %max3A_43, %get3A_29 : vector<16xf32>
      %max3A_45 = arith.maximumf %max3A_44, %get3A_33 : vector<16xf32>
      %max3A_46 = arith.maximumf %max3A_45, %get3A_37 : vector<16xf32>
      %max3A_47 = arith.maximumf %max3A_46, %get3A_41 : vector<16xf32>
      %sub3A = arith.subf %get3A_13, %max3A_47 : vector<16xf32>
      %exp3A = math.exp %sub3A : vector<16xf32>
      %sub3A_48 = arith.subf %get3A_17, %max3A_47 : vector<16xf32>
      %exp3A_49 = math.exp %sub3A_48 : vector<16xf32>
      %sub3A_50 = arith.subf %get3A_21, %max3A_47 : vector<16xf32>
      %exp3A_51 = math.exp %sub3A_50 : vector<16xf32>
      %sub3A_52 = arith.subf %get3A_25, %max3A_47 : vector<16xf32>
      %exp3A_53 = math.exp %sub3A_52 : vector<16xf32>
      %sub3A_54 = arith.subf %get3A_29, %max3A_47 : vector<16xf32>
      %exp3A_55 = math.exp %sub3A_54 : vector<16xf32>
      %sub3A_56 = arith.subf %get3A_33, %max3A_47 : vector<16xf32>
      %exp3A_57 = math.exp %sub3A_56 : vector<16xf32>
      %sub3A_58 = arith.subf %get3A_37, %max3A_47 : vector<16xf32>
      %exp3A_59 = math.exp %sub3A_58 : vector<16xf32>
      %sub3A_60 = arith.subf %get3A_41, %max3A_47 : vector<16xf32>
      %exp3A_61 = math.exp %sub3A_60 : vector<16xf32>
      %add3A_62 = arith.addf %exp3A, %exp3A_49 : vector<16xf32>
      %add3A_63 = arith.addf %add3A_62, %exp3A_51 : vector<16xf32>
      %add3A_64 = arith.addf %add3A_63, %exp3A_53 : vector<16xf32>
      %add3A_65 = arith.addf %add3A_64, %exp3A_55 : vector<16xf32>
      %add3A_66 = arith.addf %add3A_65, %exp3A_57 : vector<16xf32>
      %add3A_67 = arith.addf %add3A_66, %exp3A_59 : vector<16xf32>
      %add3A_68 = arith.addf %add3A_67, %exp3A_61 : vector<16xf32>
      %max3A_69 = arith.maximumf %exp3A, %exp3A_49 : vector<16xf32>
      %max3A_70 = arith.maximumf %max3A_69, %exp3A_51 : vector<16xf32>
      %max3A_71 = arith.maximumf %max3A_70, %exp3A_53 : vector<16xf32>
      %max3A_72 = arith.maximumf %max3A_71, %exp3A_55 : vector<16xf32>
      %max3A_73 = arith.maximumf %max3A_72, %exp3A_57 : vector<16xf32>
      %max3A_74 = arith.maximumf %max3A_73, %exp3A_59 : vector<16xf32>
      %max3A_75 = arith.maximumf %max3A_74, %exp3A_61 : vector<16xf32>
      %broadcast_in_dim3A = arith.constant 7 : i32
      %broadcast_in_dim3A_76 = vector.broadcast %broadcast_in_dim3A : i32 to vector<16xi32>
      %eq3A = arith.cmpf oeq, %exp3A_61, %max3A_75 : vector<16xf32>
      %broadcast_in_dim3A_77 = arith.constant 7 : i32
      %broadcast_in_dim3A_78 = vector.broadcast %broadcast_in_dim3A_77 : i32 to vector<16xi32>
      %select_n3A = arith.select %eq3A, %broadcast_in_dim3A_78, %broadcast_in_dim3A_76 : vector<16xi1>, vector<16xi32>
      %eq3A_79 = arith.cmpf oeq, %exp3A_59, %max3A_75 : vector<16xf32>
      %broadcast_in_dim3A_80 = arith.constant 6 : i32
      %broadcast_in_dim3A_81 = vector.broadcast %broadcast_in_dim3A_80 : i32 to vector<16xi32>
      %select_n3A_82 = arith.select %eq3A_79, %broadcast_in_dim3A_81, %select_n3A : vector<16xi1>, vector<16xi32>
      %eq3A_83 = arith.cmpf oeq, %exp3A_57, %max3A_75 : vector<16xf32>
      %broadcast_in_dim3A_84 = arith.constant 5 : i32
      %broadcast_in_dim3A_85 = vector.broadcast %broadcast_in_dim3A_84 : i32 to vector<16xi32>
      %select_n3A_86 = arith.select %eq3A_83, %broadcast_in_dim3A_85, %select_n3A_82 : vector<16xi1>, vector<16xi32>
      %eq3A_87 = arith.cmpf oeq, %exp3A_55, %max3A_75 : vector<16xf32>
      %broadcast_in_dim3A_88 = arith.constant 4 : i32
      %broadcast_in_dim3A_89 = vector.broadcast %broadcast_in_dim3A_88 : i32 to vector<16xi32>
      %select_n3A_90 = arith.select %eq3A_87, %broadcast_in_dim3A_89, %select_n3A_86 : vector<16xi1>, vector<16xi32>
      %eq3A_91 = arith.cmpf oeq, %exp3A_53, %max3A_75 : vector<16xf32>
      %broadcast_in_dim3A_92 = arith.constant 3 : i32
      %broadcast_in_dim3A_93 = vector.broadcast %broadcast_in_dim3A_92 : i32 to vector<16xi32>
      %select_n3A_94 = arith.select %eq3A_91, %broadcast_in_dim3A_93, %select_n3A_90 : vector<16xi1>, vector<16xi32>
      %eq3A_95 = arith.cmpf oeq, %exp3A_51, %max3A_75 : vector<16xf32>
      %broadcast_in_dim3A_96 = arith.constant 2 : i32
      %broadcast_in_dim3A_97 = vector.broadcast %broadcast_in_dim3A_96 : i32 to vector<16xi32>
      %select_n3A_98 = arith.select %eq3A_95, %broadcast_in_dim3A_97, %select_n3A_94 : vector<16xi1>, vector<16xi32>
      %eq3A_99 = arith.cmpf oeq, %exp3A_49, %max3A_75 : vector<16xf32>
      %broadcast_in_dim3A_100 = arith.constant 1 : i32
      %broadcast_in_dim3A_101 = vector.broadcast %broadcast_in_dim3A_100 : i32 to vector<16xi32>
      %select_n3A_102 = arith.select %eq3A_99, %broadcast_in_dim3A_101, %select_n3A_98 : vector<16xi1>, vector<16xi32>
      %eq3A_103 = arith.cmpf oeq, %exp3A, %max3A_75 : vector<16xf32>
      %broadcast_in_dim3A_104 = arith.constant 0 : i32
      %broadcast_in_dim3A_105 = vector.broadcast %broadcast_in_dim3A_104 : i32 to vector<16xi32>
      %select_n3A_106 = arith.select %eq3A_103, %broadcast_in_dim3A_105, %select_n3A_102 : vector<16xi1>, vector<16xi32>
      %broadcast_in_dim3A_107 = arith.constant 0 : i32
      %broadcast_in_dim3A_108 = vector.broadcast %broadcast_in_dim3A_107 : i32 to vector<16xi32>
      %eq3A_109 = arith.cmpi eq, %select_n3A_106, %broadcast_in_dim3A_108 : vector<16xi32>
      %broadcast_in_dim3A_110 = arith.constant -1.000000e+00 : f32
      %broadcast_in_dim3A_111 = vector.broadcast %broadcast_in_dim3A_110 : f32 to vector<16xf32>
      %select_n3A_112 = arith.select %eq3A_109, %broadcast_in_dim3A_111, %exp3A : vector<16xi1>, vector<16xf32>
      %broadcast_in_dim3A_113 = arith.constant 1 : i32
      %broadcast_in_dim3A_114 = vector.broadcast %broadcast_in_dim3A_113 : i32 to vector<16xi32>
      %eq3A_115 = arith.cmpi eq, %select_n3A_106, %broadcast_in_dim3A_114 : vector<16xi32>
      %broadcast_in_dim3A_116 = arith.constant -1.000000e+00 : f32
      %broadcast_in_dim3A_117 = vector.broadcast %broadcast_in_dim3A_116 : f32 to vector<16xf32>
      %select_n3A_118 = arith.select %eq3A_115, %broadcast_in_dim3A_117, %exp3A_49 : vector<16xi1>, vector<16xf32>
      %broadcast_in_dim3A_119 = arith.constant 2 : i32
      %broadcast_in_dim3A_120 = vector.broadcast %broadcast_in_dim3A_119 : i32 to vector<16xi32>
      %eq3A_121 = arith.cmpi eq, %select_n3A_106, %broadcast_in_dim3A_120 : vector<16xi32>
      %broadcast_in_dim3A_122 = arith.constant -1.000000e+00 : f32
      %broadcast_in_dim3A_123 = vector.broadcast %broadcast_in_dim3A_122 : f32 to vector<16xf32>
      %select_n3A_124 = arith.select %eq3A_121, %broadcast_in_dim3A_123, %exp3A_51 : vector<16xi1>, vector<16xf32>
      %broadcast_in_dim3A_125 = arith.constant 3 : i32
      %broadcast_in_dim3A_126 = vector.broadcast %broadcast_in_dim3A_125 : i32 to vector<16xi32>
      %eq3A_127 = arith.cmpi eq, %select_n3A_106, %broadcast_in_dim3A_126 : vector<16xi32>
      %broadcast_in_dim3A_128 = arith.constant -1.000000e+00 : f32
      %broadcast_in_dim3A_129 = vector.broadcast %broadcast_in_dim3A_128 : f32 to vector<16xf32>
      %select_n3A_130 = arith.select %eq3A_127, %broadcast_in_dim3A_129, %exp3A_53 : vector<16xi1>, vector<16xf32>
      %broadcast_in_dim3A_131 = arith.constant 4 : i32
      %broadcast_in_dim3A_132 = vector.broadcast %broadcast_in_dim3A_131 : i32 to vector<16xi32>
      %eq3A_133 = arith.cmpi eq, %select_n3A_106, %broadcast_in_dim3A_132 : vector<16xi32>
      %broadcast_in_dim3A_134 = arith.constant -1.000000e+00 : f32
      %broadcast_in_dim3A_135 = vector.broadcast %broadcast_in_dim3A_134 : f32 to vector<16xf32>
      %select_n3A_136 = arith.select %eq3A_133, %broadcast_in_dim3A_135, %exp3A_55 : vector<16xi1>, vector<16xf32>
      %broadcast_in_dim3A_137 = arith.constant 5 : i32
      %broadcast_in_dim3A_138 = vector.broadcast %broadcast_in_dim3A_137 : i32 to vector<16xi32>
      %eq3A_139 = arith.cmpi eq, %select_n3A_106, %broadcast_in_dim3A_138 : vector<16xi32>
      %broadcast_in_dim3A_140 = arith.constant -1.000000e+00 : f32
      %broadcast_in_dim3A_141 = vector.broadcast %broadcast_in_dim3A_140 : f32 to vector<16xf32>
      %select_n3A_142 = arith.select %eq3A_139, %broadcast_in_dim3A_141, %exp3A_57 : vector<16xi1>, vector<16xf32>
      %broadcast_in_dim3A_143 = arith.constant 6 : i32
      %broadcast_in_dim3A_144 = vector.broadcast %broadcast_in_dim3A_143 : i32 to vector<16xi32>
      %eq3A_145 = arith.cmpi eq, %select_n3A_106, %broadcast_in_dim3A_144 : vector<16xi32>
      %broadcast_in_dim3A_146 = arith.constant -1.000000e+00 : f32
      %broadcast_in_dim3A_147 = vector.broadcast %broadcast_in_dim3A_146 : f32 to vector<16xf32>
      %select_n3A_148 = arith.select %eq3A_145, %broadcast_in_dim3A_147, %exp3A_59 : vector<16xi1>, vector<16xf32>
      %broadcast_in_dim3A_149 = arith.constant 7 : i32
      %broadcast_in_dim3A_150 = vector.broadcast %broadcast_in_dim3A_149 : i32 to vector<16xi32>
      %eq3A_151 = arith.cmpi eq, %select_n3A_106, %broadcast_in_dim3A_150 : vector<16xi32>
      %broadcast_in_dim3A_152 = arith.constant -1.000000e+00 : f32
      %broadcast_in_dim3A_153 = vector.broadcast %broadcast_in_dim3A_152 : f32 to vector<16xf32>
      %select_n3A_154 = arith.select %eq3A_151, %broadcast_in_dim3A_153, %exp3A_61 : vector<16xi1>, vector<16xf32>
      %max3A_155 = arith.maximumf %select_n3A_112, %select_n3A_118 : vector<16xf32>
      %max3A_156 = arith.maximumf %max3A_155, %select_n3A_124 : vector<16xf32>
      %max3A_157 = arith.maximumf %max3A_156, %select_n3A_130 : vector<16xf32>
      %max3A_158 = arith.maximumf %max3A_157, %select_n3A_136 : vector<16xf32>
      %max3A_159 = arith.maximumf %max3A_158, %select_n3A_142 : vector<16xf32>
      %max3A_160 = arith.maximumf %max3A_159, %select_n3A_148 : vector<16xf32>
      %max3A_161 = arith.maximumf %max3A_160, %select_n3A_154 : vector<16xf32>
      %broadcast_in_dim3A_162 = arith.constant 7 : i32
      %broadcast_in_dim3A_163 = vector.broadcast %broadcast_in_dim3A_162 : i32 to vector<16xi32>
      %eq3A_164 = arith.cmpf oeq, %select_n3A_154, %max3A_161 : vector<16xf32>
      %broadcast_in_dim3A_165 = arith.constant 7 : i32
      %broadcast_in_dim3A_166 = vector.broadcast %broadcast_in_dim3A_165 : i32 to vector<16xi32>
      %select_n3A_167 = arith.select %eq3A_164, %broadcast_in_dim3A_166, %broadcast_in_dim3A_163 : vector<16xi1>, vector<16xi32>
      %eq3A_168 = arith.cmpf oeq, %select_n3A_148, %max3A_161 : vector<16xf32>
      %broadcast_in_dim3A_169 = arith.constant 6 : i32
      %broadcast_in_dim3A_170 = vector.broadcast %broadcast_in_dim3A_169 : i32 to vector<16xi32>
      %select_n3A_171 = arith.select %eq3A_168, %broadcast_in_dim3A_170, %select_n3A_167 : vector<16xi1>, vector<16xi32>
      %eq3A_172 = arith.cmpf oeq, %select_n3A_142, %max3A_161 : vector<16xf32>
      %broadcast_in_dim3A_173 = arith.constant 5 : i32
      %broadcast_in_dim3A_174 = vector.broadcast %broadcast_in_dim3A_173 : i32 to vector<16xi32>
      %select_n3A_175 = arith.select %eq3A_172, %broadcast_in_dim3A_174, %select_n3A_171 : vector<16xi1>, vector<16xi32>
      %eq3A_176 = arith.cmpf oeq, %select_n3A_136, %max3A_161 : vector<16xf32>
      %broadcast_in_dim3A_177 = arith.constant 4 : i32
      %broadcast_in_dim3A_178 = vector.broadcast %broadcast_in_dim3A_177 : i32 to vector<16xi32>
      %select_n3A_179 = arith.select %eq3A_176, %broadcast_in_dim3A_178, %select_n3A_175 : vector<16xi1>, vector<16xi32>
      %eq3A_180 = arith.cmpf oeq, %select_n3A_130, %max3A_161 : vector<16xf32>
      %broadcast_in_dim3A_181 = arith.constant 3 : i32
      %broadcast_in_dim3A_182 = vector.broadcast %broadcast_in_dim3A_181 : i32 to vector<16xi32>
      %select_n3A_183 = arith.select %eq3A_180, %broadcast_in_dim3A_182, %select_n3A_179 : vector<16xi1>, vector<16xi32>
      %eq3A_184 = arith.cmpf oeq, %select_n3A_124, %max3A_161 : vector<16xf32>
      %broadcast_in_dim3A_185 = arith.constant 2 : i32
      %broadcast_in_dim3A_186 = vector.broadcast %broadcast_in_dim3A_185 : i32 to vector<16xi32>
      %select_n3A_187 = arith.select %eq3A_184, %broadcast_in_dim3A_186, %select_n3A_183 : vector<16xi1>, vector<16xi32>
      %eq3A_188 = arith.cmpf oeq, %select_n3A_118, %max3A_161 : vector<16xf32>
      %broadcast_in_dim3A_189 = arith.constant 1 : i32
      %broadcast_in_dim3A_190 = vector.broadcast %broadcast_in_dim3A_189 : i32 to vector<16xi32>
      %select_n3A_191 = arith.select %eq3A_188, %broadcast_in_dim3A_190, %select_n3A_187 : vector<16xi1>, vector<16xi32>
      %eq3A_192 = arith.cmpf oeq, %select_n3A_112, %max3A_161 : vector<16xf32>
      %broadcast_in_dim3A_193 = arith.constant 0 : i32
      %broadcast_in_dim3A_194 = vector.broadcast %broadcast_in_dim3A_193 : i32 to vector<16xi32>
      %select_n3A_195 = arith.select %eq3A_192, %broadcast_in_dim3A_194, %select_n3A_191 : vector<16xi1>, vector<16xi32>
      %swap3A = arith.index_cast %mul3A_10 : i32 to index
      %swap3A_196 = tpu.vector_load %arg8[%swap3A] {strides = array<i32>} : memref<128xi32, #tpu.memory_space<vmem>>, vector<16xi32>,
      tpu.vector_store %arg8[%swap3A], %select_n3A_106 {strides = array<i32>} : memref<128xi32, #tpu.memory_space<vmem>>, vector<16xi32>,
      %swap3A_197 = arith.index_cast %mul3A_10 : i32 to index
      %swap3A_198 = tpu.vector_load %arg9[%swap3A_197] {strides = array<i32>} : memref<128xi32, #tpu.memory_space<vmem>>, vector<16xi32>,
      tpu.vector_store %arg9[%swap3A_197], %select_n3A_195 {strides = array<i32>} : memref<128xi32, #tpu.memory_space<vmem>>, vector<16xi32>,
      %div3A = arith.divf %max3A_75, %add3A_68 : vector<16xf32>
      %swap3A_199 = arith.index_cast %mul3A_10 : i32 to index
      %swap3A_200 = tpu.vector_load %arg10[%swap3A_199] {strides = array<i32>} : memref<128xf32, #tpu.memory_space<vmem>>, vector<16xf32>,
      tpu.vector_store %arg10[%swap3A_199], %div3A {strides = array<i32>} : memref<128xf32, #tpu.memory_space<vmem>>, vector<16xf32>,
      %div3A_201 = arith.divf %max3A_161, %add3A_68 : vector<16xf32>
      %swap3A_202 = arith.index_cast %mul3A_10 : i32 to index
      %swap3A_203 = tpu.vector_load %arg11[%swap3A_202] {strides = array<i32>} : memref<128xf32, #tpu.memory_space<vmem>>, vector<16xf32>,
      tpu.vector_store %arg11[%swap3A_202], %div3A_201 {strides = array<i32>} : memref<128xf32, #tpu.memory_space<vmem>>, vector<16xf32>,
    }
    %scan3A_7 = arith.constant 8 : i32
    "tpu.region"() ({
      %run_scoped3A = tpu.sem_alloc : memref<!tpu.dma_semaphore, #tpu.memory_space<semaphore_mem>>
      %dma_start3A = tpu.memref_slice %arg3[%mul3A_2] : memref<4096xi32, #tpu.memory_space<hbm>> -> memref<128xi32, #tpu.memory_space<hbm>>
      %dma_start3A_8 = tpu.memref_slice %arg3[%mul3A_2] : memref<4096xi32, #tpu.memory_space<hbm>> -> memref<128xi32, #tpu.memory_space<hbm>>
      tpu.enqueue_dma source(%arg8 : memref<128xi32, #tpu.memory_space<vmem>>) target(%dma_start3A_8 : memref<128xi32, #tpu.memory_space<hbm>>) target_semaphore(%run_scoped3A : memref<!tpu.dma_semaphore, #tpu.memory_space<semaphore_mem>>)
      %dma_wait3A = tpu.memref_slice %arg3[%mul3A_2] : memref<4096xi32, #tpu.memory_space<hbm>> -> memref<128xi32, #tpu.memory_space<hbm>>
      %dma_wait3A_9 = tpu.memref_slice %arg3[%mul3A_2] : memref<4096xi32, #tpu.memory_space<hbm>> -> memref<128xi32, #tpu.memory_space<hbm>>
      tpu.wait_dma2 semaphore(%run_scoped3A : memref<!tpu.dma_semaphore, #tpu.memory_space<semaphore_mem>>) src(%arg8 : memref<128xi32, #tpu.memory_space<vmem>>) dst(%dma_wait3A_9 : memref<128xi32, #tpu.memory_space<hbm>>)
      tpu.yield
    }) : () -> ()
    "tpu.region"() ({
      %run_scoped3A = tpu.sem_alloc : memref<!tpu.dma_semaphore, #tpu.memory_space<semaphore_mem>>
      %dma_start3A = tpu.memref_slice %arg4[%mul3A_2] : memref<4096xi32, #tpu.memory_space<hbm>> -> memref<128xi32, #tpu.memory_space<hbm>>
      %dma_start3A_8 = tpu.memref_slice %arg4[%mul3A_2] : memref<4096xi32, #tpu.memory_space<hbm>> -> memref<128xi32, #tpu.memory_space<hbm>>
      tpu.enqueue_dma source(%arg9 : memref<128xi32, #tpu.memory_space<vmem>>) target(%dma_start3A_8 : memref<128xi32, #tpu.memory_space<hbm>>) target_semaphore(%run_scoped3A : memref<!tpu.dma_semaphore, #tpu.memory_space<semaphore_mem>>)
      %dma_wait3A = tpu.memref_slice %arg4[%mul3A_2] : memref<4096xi32, #tpu.memory_space<hbm>> -> memref<128xi32, #tpu.memory_space<hbm>>
      %dma_wait3A_9 = tpu.memref_slice %arg4[%mul3A_2] : memref<4096xi32, #tpu.memory_space<hbm>> -> memref<128xi32, #tpu.memory_space<hbm>>
      tpu.wait_dma2 semaphore(%run_scoped3A : memref<!tpu.dma_semaphore, #tpu.memory_space<semaphore_mem>>) src(%arg9 : memref<128xi32, #tpu.memory_space<vmem>>) dst(%dma_wait3A_9 : memref<128xi32, #tpu.memory_space<hbm>>)
      tpu.yield
    }) : () -> ()
    "tpu.region"() ({
      %run_scoped3A = tpu.sem_alloc : memref<!tpu.dma_semaphore, #tpu.memory_space<semaphore_mem>>
      %dma_start3A = tpu.memref_slice %arg5[%mul3A_2] : memref<4096xf32, #tpu.memory_space<hbm>> -> memref<128xf32, #tpu.memory_space<hbm>>
      %dma_start3A_8 = tpu.memref_slice %arg5[%mul3A_2] : memref<4096xf32, #tpu.memory_space<hbm>> -> memref<128xf32, #tpu.memory_space<hbm>>
      tpu.enqueue_dma source(%arg10 : memref<128xf32, #tpu.memory_space<vmem>>) target(%dma_start3A_8 : memref<128xf32, #tpu.memory_space<hbm>>) target_semaphore(%run_scoped3A : memref<!tpu.dma_semaphore, #tpu.memory_space<semaphore_mem>>)
      %dma_wait3A = tpu.memref_slice %arg5[%mul3A_2] : memref<4096xf32, #tpu.memory_space<hbm>> -> memref<128xf32, #tpu.memory_space<hbm>>
      %dma_wait3A_9 = tpu.memref_slice %arg5[%mul3A_2] : memref<4096xf32, #tpu.memory_space<hbm>> -> memref<128xf32, #tpu.memory_space<hbm>>
      tpu.wait_dma2 semaphore(%run_scoped3A : memref<!tpu.dma_semaphore, #tpu.memory_space<semaphore_mem>>) src(%arg10 : memref<128xf32, #tpu.memory_space<vmem>>) dst(%dma_wait3A_9 : memref<128xf32, #tpu.memory_space<hbm>>)
      tpu.yield
    }) : () -> ()
    "tpu.region"() ({
      %run_scoped3A = tpu.sem_alloc : memref<!tpu.dma_semaphore, #tpu.memory_space<semaphore_mem>>
      %dma_start3A = tpu.memref_slice %arg6[%mul3A_2] : memref<4096xf32, #tpu.memory_space<hbm>> -> memref<128xf32, #tpu.memory_space<hbm>>
      %dma_start3A_8 = tpu.memref_slice %arg6[%mul3A_2] : memref<4096xf32, #tpu.memory_space<hbm>> -> memref<128xf32, #tpu.memory_space<hbm>>
      tpu.enqueue_dma source(%arg11 : memref<128xf32, #tpu.memory_space<vmem>>) target(%dma_start3A_8 : memref<128xf32, #tpu.memory_space<hbm>>) target_semaphore(%run_scoped3A : memref<!tpu.dma_semaphore, #tpu.memory_space<semaphore_mem>>)
      %dma_wait3A = tpu.memref_slice %arg6[%mul3A_2] : memref<4096xf32, #tpu.memory_space<hbm>> -> memref<128xf32, #tpu.memory_space<hbm>>
      %dma_wait3A_9 = tpu.memref_slice %arg6[%mul3A_2] : memref<4096xf32, #tpu.memory_space<hbm>> -> memref<128xf32, #tpu.memory_space<hbm>>
      tpu.wait_dma2 semaphore(%run_scoped3A : memref<!tpu.dma_semaphore, #tpu.memory_space<semaphore_mem>>) src(%arg11 : memref<128xf32, #tpu.memory_space<vmem>>) dst(%dma_wait3A_9 : memref<128xf32, #tpu.memory_space<hbm>>)
      tpu.yield
    }) : () -> ()
    return
  }
}

module attributes {stable_mosaic.version = 14 : i64} {
  func.func @_mm_block_body(%arg0: i32, %arg1: memref<1024x2048xf32, #tpu.memory_space<vmem>>, %arg2: memref<8x2048xf32, #tpu.memory_space<vmem>>, %arg3: memref<8x1024xf32, #tpu.memory_space<vmem>>) attributes {dimension_semantics = [#tpu.dimension_semantics<arbitrary>], iteration_bounds = array<i64: 28>, scalar_prefetch = 0 : i64, scratch_operands = 0 : i64, tpu.core_type = #tpu.core_type<tc>, window_params = [{transform_indices = @transform_0, window_bounds = array<i64: 1024, 2048>}, {pipeline_mode = #tpu.pipeline_mode<synchronous>, transform_indices = @transform_1, window_bounds = array<i64: 8, 2048>}, {transform_indices = @transform_2, window_bounds = array<i64: 8, 1024>}]} {
    %get3A = arith.constant 0 : index
    %get3A_0 = arith.constant 0 : index
    %get3A_1 = vector.load %arg2[%get3A, %get3A_0] : memref<8x2048xf32, #tpu.memory_space<vmem>>, vector<8x2048xf32>
    %get3A_2 = arith.constant 0 : index
    %get3A_3 = arith.constant 0 : index
    %get3A_4 = vector.load %arg1[%get3A_2, %get3A_3] : memref<1024x2048xf32, #tpu.memory_space<vmem>>, vector<1024x2048xf32>
    %dot_general3A = arith.constant dense<0.000000e+00> : vector<8x1024xf32>
    %dot_general3A_5 = tpu.matmul %get3A_1, %get3A_4, %dot_general3A {dimension_numbers = #tpu.dot_dimension_numbers<[1], [1], [0], [0], [0, 0, 1, 0], [], []>, transpose_lhs_hint = false} : vector<8x2048xf32>, vector<1024x2048xf32>, vector<8x1024xf32> -> vector<8x1024xf32>
    %swap3A = arith.constant 0 : index
    %swap3A_6 = arith.constant 0 : index
    %swap3A_7 = vector.load %arg3[%swap3A, %swap3A_6] : memref<8x1024xf32, #tpu.memory_space<vmem>>, vector<8x1024xf32>
    tpu.vector_store %arg3[%swap3A, %swap3A_6], %dot_general3A_5 {strides = array<i32>} : memref<8x1024xf32, #tpu.memory_space<vmem>>, vector<8x1024xf32>,
    return
  }
  func.func @transform_0(%arg0: i32) -> (i32, i32) {
    %add3A = arith.constant 0 : i32
    %add3A_0 = arith.addi %add3A, %arg0 : i32
    %c0_i32 = arith.constant 0 : i32
    %c0_i32_1 = arith.constant 0 : i32
    return %add3A_0, %c0_i32 : i32, i32
  }
  func.func @transform_1(%arg0: i32) -> (i32, i32) {
    %c0_i32 = arith.constant 0 : i32
    %c0_i32_0 = arith.constant 0 : i32
    %c0_i32_1 = arith.constant 0 : i32
    return %c0_i32, %c0_i32_0 : i32, i32
  }
  func.func @transform_2(%arg0: i32) -> (i32, i32) {
    %c0_i32 = arith.constant 0 : i32
    %c0_i32_0 = arith.constant 0 : i32
    return %c0_i32, %arg0 : i32, i32
  }
}

module attributes {stable_mosaic.version = 14 : i64} {
  func.func @_mm_block_body(%arg0: i32, %arg1: memref<1024x2048xf32, #tpu.memory_space<vmem>>, %arg2: memref<8x2048xf32, #tpu.memory_space<vmem>>, %arg3: memref<8x1024xf32, #tpu.memory_space<vmem>>) attributes {dimension_semantics = [#tpu.dimension_semantics<arbitrary>], iteration_bounds = array<i64: 4>, scalar_prefetch = 0 : i64, scratch_operands = 0 : i64, tpu.core_type = #tpu.core_type<tc>, window_params = [{transform_indices = @transform_0, window_bounds = array<i64: 1024, 2048>}, {pipeline_mode = #tpu.pipeline_mode<synchronous>, transform_indices = @transform_1, window_bounds = array<i64: 8, 2048>}, {transform_indices = @transform_2, window_bounds = array<i64: 8, 1024>}]} {
    %get3A = arith.constant 0 : index
    %get3A_0 = arith.constant 0 : index
    %get3A_1 = vector.load %arg2[%get3A, %get3A_0] : memref<8x2048xf32, #tpu.memory_space<vmem>>, vector<8x2048xf32>
    %get3A_2 = arith.constant 0 : index
    %get3A_3 = arith.constant 0 : index
    %get3A_4 = vector.load %arg1[%get3A_2, %get3A_3] : memref<1024x2048xf32, #tpu.memory_space<vmem>>, vector<1024x2048xf32>
    %dot_general3A = arith.constant dense<0.000000e+00> : vector<8x1024xf32>
    %dot_general3A_5 = tpu.matmul %get3A_1, %get3A_4, %dot_general3A {dimension_numbers = #tpu.dot_dimension_numbers<[1], [1], [0], [0], [0, 0, 1, 0], [], []>, transpose_lhs_hint = false} : vector<8x2048xf32>, vector<1024x2048xf32>, vector<8x1024xf32> -> vector<8x1024xf32>
    %swap3A = arith.constant 0 : index
    %swap3A_6 = arith.constant 0 : index
    %swap3A_7 = vector.load %arg3[%swap3A, %swap3A_6] : memref<8x1024xf32, #tpu.memory_space<vmem>>, vector<8x1024xf32>
    tpu.vector_store %arg3[%swap3A, %swap3A_6], %dot_general3A_5 {strides = array<i32>} : memref<8x1024xf32, #tpu.memory_space<vmem>>, vector<8x1024xf32>,
    return
  }
  func.func @transform_0(%arg0: i32) -> (i32, i32) {
    %add3A = arith.constant 28 : i32
    %add3A_0 = arith.addi %add3A, %arg0 : i32
    %c0_i32 = arith.constant 0 : i32
    %c0_i32_1 = arith.constant 0 : i32
    return %add3A_0, %c0_i32 : i32, i32
  }
  func.func @transform_1(%arg0: i32) -> (i32, i32) {
    %c0_i32 = arith.constant 0 : i32
    %c0_i32_0 = arith.constant 0 : i32
    %c0_i32_1 = arith.constant 0 : i32
    return %c0_i32, %c0_i32_0 : i32, i32
  }
  func.func @transform_2(%arg0: i32) -> (i32, i32) {
    %c0_i32 = arith.constant 0 : i32
    %c0_i32_0 = arith.constant 0 : i32
    return %c0_i32, %arg0 : i32, i32
  }
}

</mosaic_0001>

<sc_bundles>
// kernel: kernel.6.cloned.1.call-start
scs
__scs_entry_jumppad:
0x0: {  	(pc) =	sbr.rel $0x88, $3  }
0x1: {  	(tag) =	ssettag $0x0;
	lr =	simm.s32 $0x1  }
0x2: {  	[smem:$0x3F9F] =	sst lr;
	_ =	strace $0xD0000000  }
0x3: {  	_ = 	snop  }
0x4: {  	_ = 	snop  }
0x5: {  	_ = 	snop  }
0x6: {  	_ = 	snop  }
0x7: {  	_ = 	snop  }
__scs_overlays_trampoline_lowered:
0x8: {  	[smem:$0x3FAE] =	sst s0  }
0x9: {  	[smem:$0x3FAF] =	sst s1  }
0xa: {  	[smem:$0x3FB0] =	sst s2  }
0xb: {  	[smem:$0x3FB1] =	sst s3  }
0xc: {  	[smem:$0x3FB2] =	sst s4  }
0xd: {  	[smem:$0x3FB3] =	sst s5  }
0xe: {  	[smem:$0x3FB4] =	sst s6  }
0xf: {  	[smem:$0x3FB5] =	sst s7  }
0x10: {  	[smem:$0x3FB6] =	sst s8  }
0x11: {  	[smem:$0x3FB7] =	sst s9;
	s0 =	simm.s32 @!p0 $0x0  }
0x12: {  	s1 =	sld [smem:$0x3F9D];
	s0 =	simm.s32 @p0 $0x1  }
0x13: {  	[smem:$0x3FB8] =	sst s0;
	s0 =	simm.s32 @!p1 $0x0  }
0x14: {  	s2 =	sld [smem:$0x3F9C];
	s0 =	simm.s32 @p1 $0x1  }
0x15: {  	[smem:$0x3FB9] =	sst s0;
	s0 =	simm.s32 @!p2 $0x0  }
0x16: {  	s3 =	sld [smem:$0x3FDB];
	s0 =	simm.s32 @p2 $0x1  }
0x17: {  	s4 =	simm.s32 $0x1BF5;
	[smem:$0x3FBB] =	sst s0  }
0x18: {  	s0 =	sld [smem:$0x3F9E];
	_ =	swait.ge [sflag:s4], $0x0  }
0x19: {  	s7 =	sld [smem:$0x3F9F]  }
0x1a: {  	s8 =	sadd.s32 $0xFFFFE003, lr  }
0x1b: {  	s9 =	sadd.s32 $0xFFFFFEF7, lr;
	s5 =	simm.s32 $0xFFFFFFFF;
	p2 =	slt.u32 s8, $0xFFFFF086  }
0x1c: {  	p1 =	slt.u32 s9, $0xF7A;
	s5 =	simm.s32 @!p2 $0x0  }
0x1d: {  	s5 =	simm.s32 @p1 $0x1;
	p0 =	seq.s32 s7, s2  }
0x1e: {  	s7 =	smul.u32 @!p0 $0xF7A, s2;
	p2 =	seq.s32 @!p0 s5, $0x0  }
0x1f: {  	s9 =	smul.u32 $0xF7A, s1;
	s8 =	simm.s32 @!p0 $0x1BF5;
	p2 =	por !p2, p0  }
0x20: {  	[sflag:s8] =	ssyncset.s32 @!p0 $0xFFFFF086;
	s6 =	sadd.s32 @!p0 s3, s7;
	s7 =	simm.s32 @!p0 $0x108  }
0x21: {  	s3 =	sadd.s32 s3, s9;
	s6 =	sadd.s32 @!p0 $0x88, s6;
	s7 =	simm.s32 @p2 $0x1082  }
0x22: {  	[simem:s7], [sflag:s8] =	dma.local @!p0 [hbm:s6], $0xF7A  }
0x23: {  	s9 =	sor.u32 $0xD0000000, s2;
	s6 =	simm.s32 $0x108;
	_ =	swait.ge @!p0 [sflag:s8], $0x0  }
0x24: {  	s3 =	sadd.s32 $0x88, s3;
	s6 =	simm.s32 @!p1 $0x1082;
	[sflag:s4] =	ssyncset.s32 $0xFFFFF086  }
0x25: {  	[simem:s6], [sflag:s4] =	dma.local [hbm:s3], $0xF7A  }
0x26: {  	[smem:$0x3F9F] =	sst s1;
	(tag) =	ssettag s2;
	_ =	strace s9  }
0x27: {  	s1 =	sld [smem:$0x3FAF]  }
0x28: {  	s2 =	sld [smem:$0x3FB0]  }
0x29: {  	s4 =	sld [smem:$0x3FB2]  }
0x2a: {  	p0 =	seq.s32 s5, $0x0;
	s5 =	sld [smem:$0x3FB3]  }
0x2b: {  	s6 =	sld [smem:$0x3FB4]  }
0x2c: {  	s7 =	sld [smem:$0x3FB5]  }
0x2d: {  	s3 =	simm.s32 $0x108;
	s8 =	sld [smem:$0x3FB6]  }
0x2e: {  	s3 =	simm.s32 @!p0 $0x1082;
	s9 =	sld [smem:$0x3FB7]  }
0x2f: {  	lr =	sadd.s32 s0, s3;
	s0 =	sld [smem:$0x3FAE]  }
0x30: {  	s3 =	sld [smem:$0x3FB1]  }
0x31: {  	[smem:$0x3FBA] =	sst s10  }
0x32: {  	s10 =	sld [smem:$0x3FB8];
	_ =	sdelay $0x3  }
0x33: {  	p0 =	seq.s32 s10, $0x1;
	s10 =	sld [smem:$0x3FBA];
	_ =	sdelay $0x3  }
0x34: {  	[smem:$0x3FBA] =	sst s10  }
0x35: {  	s10 =	sld [smem:$0x3FB9];
	_ =	sdelay $0x3  }
0x36: {  	p1 =	seq.s32 s10, $0x1;
	s10 =	sld [smem:$0x3FBA];
	_ =	sdelay $0x3  }
0x37: {  	[smem:$0x3FBA] =	sst s10  }
0x38: {  	s10 =	sld [smem:$0x3FBB]  }
0x39: {  	_ = 	snop;
	(pc) =	sbr.ind lr, $3  }
0x3a: {  	_ = 	snop  }
0x3b: {  	_ = 	snop  }
0x3c: {  	p2 =	seq.s32 s10, $0x1;
	s10 =	sld [smem:$0x3FBA]  }
0x3d: {  	_ =	shalt  }
0x3e: {  	_ =	shalt  }
0x3f: {  	_ =	shalt  }
0x40: {  	_ =	shalt  }
0x41: {  	_ =	shalt  }
0x42: {  	_ =	shalt  }
0x43: {  	_ =	shalt  }
0x44: {  	_ =	shalt  }
0x45: {  	_ =	shalt  }
0x46: {  	_ =	shalt  }
0x47: {  	_ =	shalt  }
0x48: {  	_ =	shalt  }
0x49: {  	_ =	shalt  }
0x4a: {  	_ =	shalt  }
0x4b: {  	_ =	shalt  }
0x4c: {  	_ =	shalt  }
0x4d: {  	_ =	shalt  }
0x4e: {  	_ =	shalt  }
0x4f: {  	_ =	shalt  }
0x50: {  	_ =	shalt  }
0x51: {  	_ =	shalt  }
0x52: {  	_ =	shalt  }
0x53: {  	_ =	shalt  }
0x54: {  	_ =	shalt  }
0x55: {  	_ =	shalt  }
0x56: {  	_ =	shalt  }
0x57: {  	_ =	shalt  }
0x58: {  	_ =	shalt  }
0x59: {  	_ =	shalt  }
0x5a: {  	_ =	shalt  }
0x5b: {  	_ =	shalt  }
0x5c: {  	_ =	shalt  }
0x5d: {  	_ =	shalt  }
0x5e: {  	_ =	shalt  }
0x5f: {  	_ =	shalt  }
0x60: {  	_ =	shalt  }
0x61: {  	_ =	shalt  }
0x62: {  	_ =	shalt  }
0x63: {  	_ =	shalt  }
0x64: {  	_ =	shalt  }
0x65: {  	_ =	shalt  }
0x66: {  	_ =	shalt  }
0x67: {  	_ =	shalt  }
0x68: {  	_ =	shalt  }
0x69: {  	_ =	shalt  }
0x6a: {  	_ =	shalt  }
0x6b: {  	_ =	shalt  }
0x6c: {  	_ =	shalt  }
0x6d: {  	_ =	shalt  }
0x6e: {  	_ =	shalt  }
0x6f: {  	_ =	shalt  }
0x70: {  	_ =	shalt  }
0x71: {  	_ =	shalt  }
0x72: {  	_ =	shalt  }
0x73: {  	_ =	shalt  }
0x74: {  	_ =	shalt  }
0x75: {  	_ =	shalt  }
0x76: {  	_ =	shalt  }
0x77: {  	_ =	shalt  }
0x78: {  	_ =	shalt  }
0x79: {  	_ =	shalt  }
0x7a: {  	_ =	shalt  }
0x7b: {  	_ =	shalt  }
0x7c: {  	_ =	shalt  }
0x7d: {  	_ =	shalt  }
0x7e: {  	_ =	shalt  }
0x7f: {  	_ =	shalt  }
0x80: {  	_ =	shalt  }
0x81: {  	_ =	shalt  }
0x82: {  	_ =	shalt  }
0x83: {  	_ =	shalt  }
0x84: {  	_ =	shalt  }
0x85: {  	_ =	shalt  }
0x86: {  	_ =	shalt  }
0x87: {  	_ =	shalt  }
.Lfunc_end0:
.L_simem_size_0:
called_computation_lowered:
.L_overlay_start_0:
0x88: {  	s2 =	sld [smem:$0x3FD9]  }
0x89: {  	s3 =	sld [smem:$0x3FFE];
	_ =	sdelay $0x1  }
0x8a: {  	s1 =	srdreg.scid  }
0x8b: {  	s0 =	sand.u32 $0x1, s1  }
0x8c: {  	s14 =	sshll.u32 s0, $0xA;
	s2 =	sadd.s32 s3, s2  }
0x8d: {  	s2 =	sadd.s32 s2, s14  }
0x8e: {  	[smem:$0x3FC6] =	sst s2  }
0x8f: {  	_ = 	snop  }
0x90: {  	s2 =	sld [smem:$0x3FD0];
	_ =	sdelay $0x2  }
0x91: {  	s15 =	simm.s32 $0xB;
	s4 =	simm.s32 $0x10  }
0x92: {  	[smem:s4], [sflag:s15] =	dma.local [hbm:s2], $0x1  }
0x93: {  	_ =	swait.eq [sflag:s15], $0x1  }
0x94: {  	[sflag:s15] =	ssyncset.done $0x0  }
0x95: {  	[sflag:s15] =	ssyncadd.s32 $0xFFFFFFFF  }
0x96: {  	s16 =	sld [smem:$0x10];
	(tm) =	ssettm $0x1  }
0x97: {  	s17 =	sld [smem:$0x3FFB];
	_ =	sdelay $0x3  }
0x98: {  	_ =	strace s17  }
0x99: {  	s3 =	sld [smem:$0x3FFC];
	_ =	sdelay $0x3  }
0x9a: {  	_ =	strace s3  }
0x9b: {  	s3 =	sld [smem:$0x3FFD];
	_ =	sdelay $0x3  }
0x9c: {  	_ =	strace s3  }
0x9d: {  	_ =	strace $0x8FFFFFFF  }
0x9e: {  	s18 =	sld [smem:$0x3FDB];
	_ =	sdelay $0x1  }
0x9f: {  	s19 =	simm.s32 $_scs_section_size  }
0xa0: {  	s5 =	simm.s32 $_size__tile_overlayer_lowered;
	s6 =	simm.s32 $_tile_overlayer_lowered  }
0xa1: {  	s22 =	simm.s32 $0x1BFF;
	s21 =	sshll.u32 s6, $0x1;
	s3 =	sadd.s32 s19, s18  }
0xa2: {  	s7 =	simm.s32 $0x0;
	s20 =	sshll.u32 s5, $0x1;
	s5 =	sadd.s32 s21, s3  }
0xa3: {  	[timem:s7], [sflag:s22] =	dma.local [hbm:s5], s20  }
0xa4: {  	_ =	swait.ge [sflag:s22], s20  }
0xa5: {  	s4 =	ssub.s32 $0x0, s20;
	[sflag:s22] =	ssyncset.done $0x0  }
0xa6: {  	[sflag:s22] =	ssyncadd.s32 s4;
	_ =	sdelay $0x1  }
0xa7: {  	s23 =	simm.s32 $0x1B8B  }
0xa8: {  	_ =	swait.ge [sflag:s23], $0x1  }
0xa9: {  	[sflag:s23] =	ssyncset.done $0x0  }
0xaa: {  	s25 =	simm.s32 $0x1B8E;
	s24 =	sld [smem:$0x3FFE];
	[sflag:s23] =	ssyncadd.s32 $0xFFFFFFFF  }
0xab: {  	s26 =	simm.s32 $execute0_lowered;
	[smem:$0x3FD2] =	sst s25  }
0xac: {  	s5 =	sshll.u32 s26, $0x1;
	_ =	strace $0x80000046;
	[dreg:$0x1] =	wrdreg $0xFFFFFFFF  }
0xad: {  	s28 =	simm.s32 $_size_execute0_lowered;
	s3 =	sadd.s32 s3, s5;
	[dreg:$0x0] =	wrdreg $0x0  }
0xae: {  	s5 =	sshll.u32 s28, $0x1;
	[dreg:$0x2] =	wrdreg s3  }
0xaf: {  	[dreg:$0x3] =	wrdreg s5  }
0xb0: {  	[dreg:$0x4] =	wrdreg $0xC0  }
0xb1: {  	_ =	task [dreg:s7], $0x5FFFF  }
0xb2: {  	[dreg:$0x1] =	wrdreg $0xFFFFFFFF  }
0xb3: {  	[dreg:$0x0] =	wrdreg $0x60  }
0xb4: {  	[dreg:$0x2] =	wrdreg s24  }
0xb5: {  	[dreg:$0x3] =	wrdreg s16  }
0xb6: {  	[dreg:$0x4] =	wrdreg $0x9  }
0xb7: {  	_ =	task.clear_ibuf [dreg:s7], $0x5FFFF;
	_ =	strace $0x90000046  }
0xb8: {  	s29 =	simm.s32 $0x9;
	_ =	strace $0x80000048  }
0xb9: {  	_ =	swait.ge [sflag:s29], $0x1  }
0xba: {  	[sflag:s29] =	ssyncadd.s32 $0xFFFFFFFF  }
0xbb: {  	_ =	strace $0x90000048  }
0xbc: {  	_ =	sfence  }
0xbd: {  	s30 =	sld [smem:$0x0];
	_ =	sdelay $0x2  }
0xbe: {  	s31 =	sshll.u32 s1, $0xD;
	s1 =	sshrl.u32 s1, $0x2  }
0xbf: {  	s3 =	sand.u32 $0x4000, s31;
	s1 =	sadd.s32 s1, s30  }
0xc0: {  	s0 =	sor.u32 s3, s0;
	s1 =	sshll.u32 s1, $0x11  }
0xc1: {  	s0 =	sor.u32 s1, s0  }
0xc2: {  	s0 =	sadd.s32 $0x8F2B, s0  }
0xc3: {  	[sflag:s0] =	ssyncadd.remote.s32 $0x1  }
0xc4: {  	_ =	sfence.sel $0xFFFF  }
0xc5: {  	[dreg:$0x0] =	wrdreg $0xFFFFFFFF;
	(pc) =	sbr.abs _section_cstart, $3  }
0xc6: {  	[dreg:$0x1] =	wrdreg $0xFFFFFFFF  }
0xc7: {  	_ =	task.clear_ibuf [dreg:s7], $0x2FFFF;
	_ =	strace $0x9FFFFFFF  }
0xc8: {  	(tm) =	ssettm $0x7FFFFFFF  }
0xc9: {  	_ =	shalt  }
tec
execute0_lowered:
.L_overlay_start_1:
0x0: {  	(tag) =	ssettag $0x1  }
0x1: {  	s1 =	srdreg.scid  }
0x2: {  	s0 =	stileid.u32;
	s3 =	rddreg [dreg:$0x0]  }
0x3: {  	s5 =	rddreg [dreg:$0x1];
	s2 =	simm.s32 $0x0;
	s10 =	simm.s32 $0x1C00  }
0x4: {  	s11 =	simm.s32 $0x1F80;
	s4 =	sand.u32 $0x1, s1;
	s31 =	sshll.u32 s0, $0x1  }
0x5: {  	s12 =	simm.s32 $0x2300;
	s13 =	simm.s32 $0x2680;
	s6 =	sor.u32 s4, s31  }
0x6: {  	s14 =	simm.s32 $0x0;
	s4 =	ssub.s32 $0x2, s4;
	s7 =	smul.u32 $0x380, s6  }
0x7: {  	[smem:$0x7FF] =	sst s2;
	s6 =	smul.u32 $0x70, s6;
	s8 =	sshrl.u32 s4, $0x1  }
0x8: {  	s1 =	rddreg [dreg:$0x2];
	_ =	strace $0x80000047;
	s8 =	ssub.s32 s4, s8  }
0x9: {  	s7 =	sadd.s32 s7, s3;
	s9 =	sadd.s32 s6, s3;
	s4 =	sadd.s32 s5, s6  }
0xa: {  	s8 =	smax.u32 s8, $0x1;
	s3 =	sadd.s32 $0x1A00, s7;
	s5 =	sadd.s32 $0xA600, s9  }
0xb: {  	v0 =	vimm.s32 $0x7;
	s6 =	sadd.s32 $0x8A00, s9;
	s7 =	sadd.s32 $0x9800, s9;
	s9 =	simm.s32 $0x1  }
.LBB2_1:
0xc: {  	[tilespmem:s2], [sflag:$0x1] =	stream.linear.gather [hbm4b:s3+s2], $0x1C00, $0x38;
	[tilespmem:$0x2A00] =	vst v63  }
0xd: {  	_ =	swait.ge [sflag:s9], $0x1C00  }
0xe: {  	s15 =	sand.u32 $0x70, s2;
	s16 =	sand.u32 $0x1C00, s2;
	[sflag:s9] =	ssyncset.done $0x0  }
0xf: {  	s15 =	sor.u32 s15, s16;
	[sflag:s9] =	ssyncadd.s32 $0xFFFFE400  }
0x10: {  	v1 =	vld [tilespmem:s15+$0x0]  }
0x11: {  	v2 =	vld [tilespmem:s15+$0x80]  }
0x12: {  	v3 =	vld [tilespmem:s15+$0x100]  }
0x13: {  	v4 =	vld [tilespmem:s15+$0x180]  }
0x14: {  	v5 =	vld [tilespmem:s15+$0x200]  }
0x15: {  	v6 =	vld [tilespmem:s15+$0x280]  }
0x16: {  	v7 =	vld [tilespmem:s15+$0x300];
	v8 =	vmax.f32 v1, v2  }
0x17: {  	v9 =	vld [tilespmem:s15+$0x380];
	v8 =	vmax.f32 v8, v3  }
0x18: {  	v8 =	vmax.f32 v8, v4  }
0x19: {  	v8 =	vmax.f32 v8, v5  }
0x1a: {  	v8 =	vmax.f32 v8, v6  }
0x1b: {  	v8 =	vmax.f32 v8, v7  }
0x1c: {  	v8 =	vmax.f32 v8, v9  }
0x1d: {  	v1 =	vsub.f32 v1, v8  }
0x1e: {  	v2 =	vsub.f32 v2, v8  }
0x1f: {  	v3 =	vsub.f32 v3, v8;
	v1 =	vmul.f32 $1.442695020e+00, v1  }
0x20: {  	v4 =	vsub.f32 v4, v8;
	v2 =	vmul.f32 $1.442695020e+00, v2  }
0x21: {  	v5 =	vsub.f32 v5, v8;
	v3 =	vmul.f32 $1.442695020e+00, v3;
	(erf) = vpow2.f32 v1  }
0x22: {  	v1 =	vmul.f32 $1.442695020e+00, v4;
	v4 =	vsub.f32 v6, v8;
	(erf) = vpow2.f32 v2  }
0x23: {  	v2 =	vmul.f32 $1.442695020e+00, v5;
	v5 =	vsub.f32 v7, v8;
	(erf) = vpow2.f32 v3  }
0x24: {  	v3 =	vmul.f32 $1.442695020e+00, v4;
	v4 =	vsub.f32 v9, v8;
	(erf) = vpow2.f32 v1  }
0x25: {  	v1 =	vmul.f32 $1.442695020e+00, v5;
	(erf) = vpow2.f32 v2  }
0x26: {  	v2 =	vmul.f32 $1.442695020e+00, v4;
	(erf) = vpow2.f32 v3  }
0x27: {  	(erf) = vpow2.f32 v1  }
0x28: {  	(erf) = vpow2.f32 v2;
	_ =	sdelay $0x1  }
0x29: {  	v2 =	vpop (erf)  }
0x2a: {  	v3 =	vpop (erf)  }
0x2b: {  	v1 =	vmax.f32 v2, v3;
	v4 =	vpop (erf)  }
0x2c: {  	v10 =	vadd.f32 v3, v2;
	v1 =	vmax.f32 v1, v4;
	v5 =	vpop (erf)  }
0x2d: {  	v1 =	vmax.f32 v1, v5;
	v57 =	vpop (erf)  }
0x2e: {  	v10 =	vadd.f32 v10, v4;
	v1 =	vmax.f32 v1, v57;
	v58 =	vpop (erf)  }
0x2f: {  	v1 =	vmax.f32 v1, v58;
	v59 =	vpop (erf)  }
0x30: {  	v10 =	vadd.f32 v10, v5;
	v1 =	vmax.f32 v1, v59;
	v60 =	vpop (erf)  }
0x31: {  	v1 =	vmax.f32 v1, v60  }
0x32: {  	v10 =	vadd.f32 v10, v57;
	vm0 =	veq.f32 v59, v1  }
0x33: {  	v11 =	vsel vm0, $0x6, v0;
	vm0 =	veq.f32 v58, v1  }
0x34: {  	v7 =	vadd.f32 v10, v58;
	v11 =	vsel vm0, $0x5, v11;
	vm0 =	veq.f32 v57, v1  }
0x35: {  	vm1 =	veq.f32 v5, v1;
	v11 =	vsel vm0, $0x4, v11  }
0x36: {  	vm0 =	veq.f32 v4, v1;
	v7 =	vadd.f32 v7, v59;
	v11 =	vsel vm1, $0x3, v11  }
0x37: {  	vm1 =	veq.f32 v3, v1;
	v11 =	vsel vm0, $0x2, v11  }
0x38: {  	vm0 =	vne.f32 v2, v1;
	v7 =	vadd.f32 v7, v60;
	v11 =	vsel vm1, $0x1, v11  }
0x39: {  	vm1 =	vmand vm0, vm1;
	v12 =	vnsel vm0, $0xBF800000, v2;
	v11 =	vnsel vm0, $0x0, v11  }
0x3a: {  	v3 =	vsel vm1, $0xBF800000, v3;
	(erf) = vrcp.f32 v7;
	vm0 =	veq.s32 v11, $0x2  }
0x3b: {  	v2 =	vmax.f32 v12, v3;
	vm1 =	veq.s32 v11, $0x3;
	v4 =	vsel vm0, $0xBF800000, v4  }
0x3c: {  	v5 =	vsel vm1, $0xBF800000, v5;
	vm0 =	veq.s32 v11, $0x4;
	v2 =	vmax.f32 v2, v4  }
0x3d: {  	vm1 =	veq.s32 v11, $0x5;
	v6 =	vsel vm0, $0xBF800000, v57;
	v2 =	vmax.f32 v2, v5  }
0x3e: {  	vm0 =	veq.s32 v11, $0x6;
	v13 =	vsel vm1, $0xBF800000, v58;
	v2 =	vmax.f32 v2, v6  }
0x3f: {  	vm1 =	veq.s32 v11, $0x7;
	v14 =	vsel vm0, $0xBF800000, v59;
	v2 =	vmax.f32 v2, v13  }
0x40: {  	v61 =	vsel vm1, $0xBF800000, v60;
	v2 =	vmax.f32 v2, v14  }
0x41: {  	v2 =	vmax.f32 v2, v61  }
0x42: {  	vm0 =	veq.f32 v14, v2  }
0x43: {  	v62 =	vsel vm0, $0x6, v0;
	vm0 =	veq.f32 v13, v2  }
0x44: {  	vm1 =	veq.f32 v6, v2;
	v63 =	vsel vm0, $0x5, v62  }
0x45: {  	s17 =	simm.s32 $0x2690;
	s18 =	simm.s32 $0x0;
	s19 =	simm.s32 $0x1C00;
	vm0 =	veq.f32 v5, v2;
	v5 =	vsel vm1, $0x4, v63  }
0x46: {  	s23 =	simm.s32 $0x1F80;
	s20 =	simm.s32 $0x1F80;
	s21 =	simm.s32 $0x2300;
	vm2 =	veq.f32 v4, v2;
	v4 =	vsel vm0, $0x3, v5  }
0x47: {  	s22 =	simm.s32 $0x2680;
	s16 =	simm.s32 $0x2310;
	s15 =	simm.s32 $0x10;
	[tilespmem:s10+$0x0] =	vst v11;
	vm1 =	veq.f32 v3, v2;
	vm0 =	veq.f32 v12, v2;
	v3 =	vsel vm2, $0x2, v4  }
.LBB2_2:
0x48: {  	v3 =	vsel vm1, $0x1, v3;
	s18 =	sadd.s32 $0x80, s18;
	s19 =	sadd.s32 $0x10, s19;
	s23 =	sadd.s32 $0x10, s23;
	v4 =	vpop (erf)  }
0x49: {  	s24 =	sand.u32 $0x70, s15;
	p0 =	sne.s32 s15, $0x370;
	s25 =	sand.u32 $0x1C00, s18;
	v3 =	vsel vm0, $0x0, v3;
	v1 =	vmul.f32 v4, v1;
	v2 =	vmul.f32 v2, v4  }
0x4a: {  	s15 =	sadd.s32 $0x10, s15;
	s24 =	sor.u32 s24, s25;
	[tilespmem:s20+$0x0] =	vst v3;
	s20 =	smov.u32 s23  }
0x4b: {  	[tilespmem:s21+$0x0] =	vst v1;
	s21 =	smov.u32 s16  }
0x4c: {  	[tilespmem:s22+$0x0] =	vst v2;
	s22 =	smov.u32 s17  }
0x4d: {  	v1 =	vld [tilespmem:s24+$0x0]  }
0x4e: {  	v2 =	vld [tilespmem:s24+$0x80]  }
0x4f: {  	v3 =	vld [tilespmem:s24+$0x100]  }
0x50: {  	v4 =	vld [tilespmem:s24+$0x180]  }
0x51: {  	v5 =	vld [tilespmem:s24+$0x200]  }
0x52: {  	v6 =	vld [tilespmem:s24+$0x280]  }
0x53: {  	v7 =	vld [tilespmem:s24+$0x300];
	v8 =	vmax.f32 v1, v2  }
0x54: {  	v9 =	vld [tilespmem:s24+$0x380];
	v8 =	vmax.f32 v8, v3  }
0x55: {  	v8 =	vmax.f32 v8, v4  }
0x56: {  	v8 =	vmax.f32 v8, v5  }
0x57: {  	v8 =	vmax.f32 v8, v6  }
0x58: {  	v8 =	vmax.f32 v8, v7  }
0x59: {  	v8 =	vmax.f32 v8, v9  }
0x5a: {  	v1 =	vsub.f32 v1, v8;
	v3 =	vsub.f32 v3, v8  }
0x5b: {  	v2 =	vsub.f32 v2, v8;
	v4 =	vsub.f32 v4, v8  }
0x5c: {  	v5 =	vsub.f32 v5, v8;
	v1 =	vmul.f32 $1.442695020e+00, v1;
	v3 =	vmul.f32 $1.442695020e+00, v3  }
0x5d: {  	v6 =	vsub.f32 v6, v8;
	v2 =	vmul.f32 $1.442695020e+00, v2;
	v4 =	vmul.f32 $1.442695020e+00, v4  }
0x5e: {  	v7 =	vsub.f32 v7, v8;
	v5 =	vmul.f32 $1.442695020e+00, v5;
	(erf) = vpow2.f32 v1  }
0x5f: {  	v1 =	vmul.f32 $1.442695020e+00, v6;
	v6 =	vsub.f32 v9, v8;
	(erf) = vpow2.f32 v2  }
0x60: {  	v2 =	vmul.f32 $1.442695020e+00, v7;
	(erf) = vpow2.f32 v3  }
0x61: {  	v3 =	vmul.f32 $1.442695020e+00, v6;
	(erf) = vpow2.f32 v4  }
0x62: {  	(erf) = vpow2.f32 v5  }
0x63: {  	(erf) = vpow2.f32 v1  }
0x64: {  	(erf) = vpow2.f32 v2  }
0x65: {  	(erf) = vpow2.f32 v3;
	_ =	sdelay $0x1  }
0x66: {  	v2 =	vpop (erf)  }
0x67: {  	v3 =	vpop (erf)  }
0x68: {  	v1 =	vadd.f32 v3, v2;
	v4 =	vmax.f32 v2, v3;
	v5 =	vpop (erf)  }
0x69: {  	v4 =	vmax.f32 v4, v5;
	v6 =	vpop (erf)  }
0x6a: {  	v1 =	vadd.f32 v1, v5;
	v4 =	vmax.f32 v4, v6;
	v7 =	vpop (erf)  }
0x6b: {  	v4 =	vmax.f32 v4, v7;
	v8 =	vpop (erf)  }
0x6c: {  	v1 =	vadd.f32 v1, v6;
	v4 =	vmax.f32 v4, v8;
	v9 =	vpop (erf)  }
0x6d: {  	v4 =	vmax.f32 v4, v9;
	v10 =	vpop (erf)  }
0x6e: {  	v11 =	vadd.f32 v1, v7;
	v1 =	vmax.f32 v4, v10  }
0x6f: {  	vm0 =	veq.f32 v9, v1;
	vm1 =	veq.f32 v6, v1;
	vm2 =	veq.f32 v5, v1  }
0x70: {  	vm3 =	veq.f32 v3, v1;
	v4 =	vsel vm0, $0x6, v0;
	vm0 =	veq.f32 v8, v1  }
0x71: {  	vm4 =	vne.f32 v2, v1;
	v4 =	vsel vm0, $0x5, v4;
	vm0 =	veq.f32 v7, v1  }
0x72: {  	v12 =	vnsel vm4, $0xBF800000, v2;
	v4 =	vsel vm0, $0x4, v4;
	vm0 =	vmand vm4, vm3  }
0x73: {  	v2 =	vadd.f32 v11, v8;
	v4 =	vsel vm1, $0x3, v4;
	v3 =	vsel vm0, $0xBF800000, v3  }
0x74: {  	v4 =	vsel vm2, $0x2, v4;
	v11 =	vmax.f32 v12, v3  }
0x75: {  	v2 =	vadd.f32 v2, v9;
	v4 =	vsel vm3, $0x1, v4  }
0x76: {  	v4 =	vnsel vm4, $0x0, v4  }
0x77: {  	vm0 =	veq.s32 v4, $0x2;
	vm1 =	veq.s32 v4, $0x3;
	vm2 =	veq.s32 v4, $0x7;
	[tilespmem:s19+$0x0] =	vst v4  }
0x78: {  	v5 =	vsel vm0, $0xBF800000, v5;
	v6 =	vsel vm1, $0xBF800000, v6;
	vm0 =	veq.s32 v4, $0x6  }
0x79: {  	vm3 =	veq.s32 v4, $0x5;
	vm1 =	veq.s32 v4, $0x4;
	v4 =	vmax.f32 v11, v5  }
0x7a: {  	v2 =	vadd.f32 v2, v10;
	v7 =	vsel vm1, $0xBF800000, v7;
	v4 =	vmax.f32 v4, v6  }
0x7b: {  	v8 =	vsel vm3, $0xBF800000, v8;
	v4 =	vmax.f32 v4, v7  }
0x7c: {  	v9 =	vsel vm0, $0xBF800000, v9;
	v4 =	vmax.f32 v4, v8;
	(erf) = vrcp.f32 v2  }
0x7d: {  	v2 =	vsel vm2, $0xBF800000, v10;
	v4 =	vmax.f32 v4, v9  }
0x7e: {  	v2 =	vmax.f32 v4, v2  }
0x7f: {  	vm0 =	veq.f32 v9, v2;
	vm2 =	veq.f32 v7, v2;
	vm3 =	veq.f32 v6, v2  }
.Ltmp0:
0x80: {  	vm4 =	veq.f32 v5, v2;
	v4 =	vsel vm0, $0x6, v0;
	vm0 =	veq.f32 v8, v2;
	(pc) =	sbr.rel @p0 .LBB2_2-.Ltmp0, $4  }
0x81: {  	vm1 =	veq.f32 v3, v2;
	v4 =	vsel vm0, $0x5, v4;
	vm0 =	veq.f32 v12, v2  }
0x82: {  	v3 =	vsel vm2, $0x4, v4  }
0x83: {  	v3 =	vsel vm3, $0x3, v3  }
0x84: {  	s16 =	sadd.s32 $0x10, s16;
	s17 =	sadd.s32 $0x10, s17;
	v3 =	vsel vm4, $0x2, v3  }
0x85: {  	v3 =	vsel vm1, $0x1, v3;
	v4 =	vpop (erf)  }
0x86: {  	v3 =	vsel vm0, $0x0, v3;
	v1 =	vmul.f32 v4, v1  }
0x87: {  	v2 =	vmul.f32 v2, v4;
	[tilespmem:s20+$0x0] =	vst v3  }
0x88: {  	[tilespmem:s21+$0x0] =	vst v1  }
0x89: {  	[tilespmem:s22+$0x0] =	vst v2  }
0x8a: {  	[hbm4b:s4+s2] =	stream.linear.scatter [tilespmem:s10], [sflag:$0x1], $0x380, $0x38;
	[tilespmem:$0x2A00] =	vst v63  }
0x8b: {  	_ =	swait.ge [sflag:s9], $0x380  }
0x8c: {  	[sflag:s9] =	ssyncset.done $0x0  }
0x8d: {  	[sflag:s9] =	ssyncadd.s32 $0xFFFFFC80  }
0x8e: {  	[hbm4b:s5+s2] =	stream.linear.scatter [tilespmem:s11], [sflag:$0x1], $0x380, $0x38;
	[tilespmem:$0x2A00] =	vst v63  }
0x8f: {  	_ =	swait.ge [sflag:s9], $0x380  }
0x90: {  	[sflag:s9] =	ssyncset.done $0x0  }
0x91: {  	[sflag:s9] =	ssyncadd.s32 $0xFFFFFC80  }
0x92: {  	[hbm4b:s6+s2] =	stream.linear.scatter [tilespmem:s12], [sflag:$0x1], $0x380, $0x38;
	[tilespmem:$0x2A00] =	vst v63  }
0x93: {  	s14 =	sadd.s32 $0x1, s14;
	_ =	swait.ge [sflag:s9], $0x380  }
0x94: {  	p0 =	sne.s32 s14, s8;
	[sflag:s9] =	ssyncset.done $0x0  }
.Ltmp1:
0x95: {  	[sflag:s9] =	ssyncadd.s32 $0xFFFFFC80;
	(pc) =	sbr.rel @p0 .LBB2_1-.Ltmp1, $4  }
0x96: {  	[hbm4b:s7+s2] =	stream.linear.scatter [tilespmem:s13], [sflag:$0x1], $0x380, $0x38;
	[tilespmem:$0x2A00] =	vst v63  }
0x97: {  	_ =	swait.ge [sflag:s9], $0x380  }
0x98: {  	[sflag:s9] =	ssyncset.done $0x0  }
0x99: {  	[sflag:s9] =	ssyncadd.s32 $0xFFFFFC80  }
0x9a: {  	_ =	sfence.sel $0x180000  }
0x9b: {  	[bflag:$0x0] =	sbarrier.arrive $0xFFFF  }
0x9c: {  	p0 =	sne.s32 s0, $0x0;
	_ =	strace $0x90000047  }
0x9d: {  	s0 =	sadd.s32 @!p0 $0x100000, s1;
	[bflag:$0x2] =	sbarrier.arrive $0xFFFF  }
0x9e: {  	[sflag:s0] =	ssyncadd.tile.s32 @!p0 $0x1;
	_ =	shalt  }
.Lfunc_end2:
_tile_overlayer_lowered:
.L_overlay_start_2:
0x9f: {  	(tag) =	ssettag $0x2  }
0xa0: {  	s0 =	rddreg [dreg:$0x0];
	s2 =	stileid.u32  }
0xa1: {  	s1 =	rddreg [dreg:$0x1];
	p0 =	sne.s32 s2, $0x0  }
0xa2: {  	s3 =	rddreg [dreg:$0x2];
	[bflag:$0x3] =	sbarrier.arrive $0xFFFF;
	s2 =	simm.s32 @!p0 $0x1C01  }
0xa3: {  	[timem:s3], [sflag:s2] =	dma.local @!p0 [hbm:s0], s1  }
0xa4: {  	s0 =	simm.s32 @!p0 $0x1  }
0xa5: {  	_ =	swait.ge @!p0 [sflag:s0], s1  }
0xa6: {  	s1 =	ssub.s32 @!p0 $0x0, s1;
	[sflag:s0] =	ssyncset.done @!p0 $0x0  }
0xa7: {  	[sflag:s0] =	ssyncadd.s32 @!p0 s1  }
0xa8: {  	[bflag:$0x3] =	sbarrier.arrive $0xFFFF  }
0xa9: {  	_ =	shalt  }

// kernel: kernel.9.cloned.1.call-start
scs
__scs_entry_jumppad:
0x0: {  	(pc) =	sbr.rel $0x88, $3  }
0x1: {  	(tag) =	ssettag $0x0;
	lr =	simm.s32 $0x1  }
0x2: {  	[smem:$0x3F9F] =	sst lr;
	_ =	strace $0xD0000000  }
0x3: {  	_ = 	snop  }
0x4: {  	_ = 	snop  }
0x5: {  	_ = 	snop  }
0x6: {  	_ = 	snop  }
0x7: {  	_ = 	snop  }
__scs_overlays_trampoline_lowered:
0x8: {  	[smem:$0x3FAE] =	sst s0  }
0x9: {  	[smem:$0x3FAF] =	sst s1  }
0xa: {  	[smem:$0x3FB0] =	sst s2  }
0xb: {  	[smem:$0x3FB1] =	sst s3  }
0xc: {  	[smem:$0x3FB2] =	sst s4  }
0xd: {  	[smem:$0x3FB3] =	sst s5  }
0xe: {  	[smem:$0x3FB4] =	sst s6  }
0xf: {  	[smem:$0x3FB5] =	sst s7  }
0x10: {  	[smem:$0x3FB6] =	sst s8  }
0x11: {  	[smem:$0x3FB7] =	sst s9;
	s0 =	simm.s32 @!p0 $0x0  }
0x12: {  	s1 =	sld [smem:$0x3F9D];
	s0 =	simm.s32 @p0 $0x1  }
0x13: {  	[smem:$0x3FB8] =	sst s0;
	s0 =	simm.s32 @!p1 $0x0  }
0x14: {  	s2 =	sld [smem:$0x3F9C];
	s0 =	simm.s32 @p1 $0x1  }
0x15: {  	[smem:$0x3FB9] =	sst s0;
	s0 =	simm.s32 @!p2 $0x0  }
0x16: {  	s3 =	sld [smem:$0x3FDB];
	s0 =	simm.s32 @p2 $0x1  }
0x17: {  	s4 =	simm.s32 $0x1BF5;
	[smem:$0x3FBB] =	sst s0  }
0x18: {  	s0 =	sld [smem:$0x3F9E];
	_ =	swait.ge [sflag:s4], $0x0  }
0x19: {  	s7 =	sld [smem:$0x3F9F]  }
0x1a: {  	s8 =	sadd.s32 $0xFFFFE003, lr  }
0x1b: {  	s9 =	sadd.s32 $0xFFFFFEF7, lr;
	s5 =	simm.s32 $0xFFFFFFFF;
	p2 =	slt.u32 s8, $0xFFFFF086  }
0x1c: {  	p1 =	slt.u32 s9, $0xF7A;
	s5 =	simm.s32 @!p2 $0x0  }
0x1d: {  	s5 =	simm.s32 @p1 $0x1;
	p0 =	seq.s32 s7, s2  }
0x1e: {  	s7 =	smul.u32 @!p0 $0xF7A, s2;
	p2 =	seq.s32 @!p0 s5, $0x0  }
0x1f: {  	s9 =	smul.u32 $0xF7A, s1;
	s8 =	simm.s32 @!p0 $0x1BF5;
	p2 =	por !p2, p0  }
0x20: {  	[sflag:s8] =	ssyncset.s32 @!p0 $0xFFFFF086;
	s6 =	sadd.s32 @!p0 s3, s7;
	s7 =	simm.s32 @!p0 $0x108  }
0x21: {  	s3 =	sadd.s32 s3, s9;
	s6 =	sadd.s32 @!p0 $0x88, s6;
	s7 =	simm.s32 @p2 $0x1082  }
0x22: {  	[simem:s7], [sflag:s8] =	dma.local @!p0 [hbm:s6], $0xF7A  }
0x23: {  	s9 =	sor.u32 $0xD0000000, s2;
	s6 =	simm.s32 $0x108;
	_ =	swait.ge @!p0 [sflag:s8], $0x0  }
0x24: {  	s3 =	sadd.s32 $0x88, s3;
	s6 =	simm.s32 @!p1 $0x1082;
	[sflag:s4] =	ssyncset.s32 $0xFFFFF086  }
0x25: {  	[simem:s6], [sflag:s4] =	dma.local [hbm:s3], $0xF7A  }
0x26: {  	[smem:$0x3F9F] =	sst s1;
	(tag) =	ssettag s2;
	_ =	strace s9  }
0x27: {  	s1 =	sld [smem:$0x3FAF]  }
0x28: {  	s2 =	sld [smem:$0x3FB0]  }
0x29: {  	s4 =	sld [smem:$0x3FB2]  }
0x2a: {  	p0 =	seq.s32 s5, $0x0;
	s5 =	sld [smem:$0x3FB3]  }
0x2b: {  	s6 =	sld [smem:$0x3FB4]  }
0x2c: {  	s7 =	sld [smem:$0x3FB5]  }
0x2d: {  	s3 =	simm.s32 $0x108;
	s8 =	sld [smem:$0x3FB6]  }
0x2e: {  	s3 =	simm.s32 @!p0 $0x1082;
	s9 =	sld [smem:$0x3FB7]  }
0x2f: {  	lr =	sadd.s32 s0, s3;
	s0 =	sld [smem:$0x3FAE]  }
0x30: {  	s3 =	sld [smem:$0x3FB1]  }
0x31: {  	[smem:$0x3FBA] =	sst s10  }
0x32: {  	s10 =	sld [smem:$0x3FB8];
	_ =	sdelay $0x3  }
0x33: {  	p0 =	seq.s32 s10, $0x1;
	s10 =	sld [smem:$0x3FBA];
	_ =	sdelay $0x3  }
0x34: {  	[smem:$0x3FBA] =	sst s10  }
0x35: {  	s10 =	sld [smem:$0x3FB9];
	_ =	sdelay $0x3  }
0x36: {  	p1 =	seq.s32 s10, $0x1;
	s10 =	sld [smem:$0x3FBA];
	_ =	sdelay $0x3  }
0x37: {  	[smem:$0x3FBA] =	sst s10  }
0x38: {  	s10 =	sld [smem:$0x3FBB]  }
0x39: {  	_ = 	snop;
	(pc) =	sbr.ind lr, $3  }
0x3a: {  	_ = 	snop  }
0x3b: {  	_ = 	snop  }
0x3c: {  	p2 =	seq.s32 s10, $0x1;
	s10 =	sld [smem:$0x3FBA]  }
0x3d: {  	_ =	shalt  }
0x3e: {  	_ =	shalt  }
0x3f: {  	_ =	shalt  }
0x40: {  	_ =	shalt  }
0x41: {  	_ =	shalt  }
0x42: {  	_ =	shalt  }
0x43: {  	_ =	shalt  }
0x44: {  	_ =	shalt  }
0x45: {  	_ =	shalt  }
0x46: {  	_ =	shalt  }
0x47: {  	_ =	shalt  }
0x48: {  	_ =	shalt  }
0x49: {  	_ =	shalt  }
0x4a: {  	_ =	shalt  }
0x4b: {  	_ =	shalt  }
0x4c: {  	_ =	shalt  }
0x4d: {  	_ =	shalt  }
0x4e: {  	_ =	shalt  }
0x4f: {  	_ =	shalt  }
0x50: {  	_ =	shalt  }
0x51: {  	_ =	shalt  }
0x52: {  	_ =	shalt  }
0x53: {  	_ =	shalt  }
0x54: {  	_ =	shalt  }
0x55: {  	_ =	shalt  }
0x56: {  	_ =	shalt  }
0x57: {  	_ =	shalt  }
0x58: {  	_ =	shalt  }
0x59: {  	_ =	shalt  }
0x5a: {  	_ =	shalt  }
0x5b: {  	_ =	shalt  }
0x5c: {  	_ =	shalt  }
0x5d: {  	_ =	shalt  }
0x5e: {  	_ =	shalt  }
0x5f: {  	_ =	shalt  }
0x60: {  	_ =	shalt  }
0x61: {  	_ =	shalt  }
0x62: {  	_ =	shalt  }
0x63: {  	_ =	shalt  }
0x64: {  	_ =	shalt  }
0x65: {  	_ =	shalt  }
0x66: {  	_ =	shalt  }
0x67: {  	_ =	shalt  }
0x68: {  	_ =	shalt  }
0x69: {  	_ =	shalt  }
0x6a: {  	_ =	shalt  }
0x6b: {  	_ =	shalt  }
0x6c: {  	_ =	shalt  }
0x6d: {  	_ =	shalt  }
0x6e: {  	_ =	shalt  }
0x6f: {  	_ =	shalt  }
0x70: {  	_ =	shalt  }
0x71: {  	_ =	shalt  }
0x72: {  	_ =	shalt  }
0x73: {  	_ =	shalt  }
0x74: {  	_ =	shalt  }
0x75: {  	_ =	shalt  }
0x76: {  	_ =	shalt  }
0x77: {  	_ =	shalt  }
0x78: {  	_ =	shalt  }
0x79: {  	_ =	shalt  }
0x7a: {  	_ =	shalt  }
0x7b: {  	_ =	shalt  }
0x7c: {  	_ =	shalt  }
0x7d: {  	_ =	shalt  }
0x7e: {  	_ =	shalt  }
0x7f: {  	_ =	shalt  }
0x80: {  	_ =	shalt  }
0x81: {  	_ =	shalt  }
0x82: {  	_ =	shalt  }
0x83: {  	_ =	shalt  }
0x84: {  	_ =	shalt  }
0x85: {  	_ =	shalt  }
0x86: {  	_ =	shalt  }
0x87: {  	_ =	shalt  }
.Lfunc_end0:
.L_simem_size_0:
called_computation.1_lowered:
.L_overlay_start_0:
0x88: {  	s2 =	sld [smem:$0x3FD9]  }
0x89: {  	s3 =	sld [smem:$0x3FFE];
	_ =	sdelay $0x1  }
0x8a: {  	s1 =	srdreg.scid  }
0x8b: {  	s0 =	sand.u32 $0x1, s1  }
0x8c: {  	s15 =	sshll.u32 s0, $0xA;
	s2 =	sadd.s32 s3, s2  }
0x8d: {  	s2 =	sadd.s32 s2, s15  }
0x8e: {  	[smem:$0x3FC6] =	sst s2  }
0x8f: {  	_ = 	snop  }
0x90: {  	s2 =	sld [smem:$0x3FD0];
	_ =	sdelay $0x2  }
0x91: {  	s16 =	simm.s32 $0xB;
	s4 =	simm.s32 $0x10  }
0x92: {  	[smem:s4], [sflag:s16] =	dma.local [hbm:s2], $0x1  }
0x93: {  	_ =	swait.eq [sflag:s16], $0x1  }
0x94: {  	[sflag:s16] =	ssyncset.done $0x0  }
0x95: {  	[sflag:s16] =	ssyncadd.s32 $0xFFFFFFFF  }
0x96: {  	s17 =	sld [smem:$0x11];
	(tm) =	ssettm $0x1  }
0x97: {  	s18 =	sld [smem:$0x3FFB];
	_ =	sdelay $0x3  }
0x98: {  	_ =	strace s18  }
0x99: {  	s2 =	sld [smem:$0x3FFC];
	_ =	sdelay $0x3  }
0x9a: {  	_ =	strace s2  }
0x9b: {  	s2 =	sld [smem:$0x3FFD];
	_ =	sdelay $0x3  }
0x9c: {  	_ =	strace s2  }
0x9d: {  	_ =	strace $0x8FFFFFFF  }
0x9e: {  	s19 =	sld [smem:$0x3FDB];
	_ =	sdelay $0x1  }
0x9f: {  	s20 =	simm.s32 $_scs_section_size  }
0xa0: {  	s5 =	simm.s32 $_size__tile_overlayer_lowered;
	s6 =	simm.s32 $_tile_overlayer_lowered  }
0xa1: {  	s7 =	simm.s32 $0x1BFF;
	s21 =	sshll.u32 s6, $0x1;
	s4 =	sadd.s32 s20, s19  }
0xa2: {  	s22 =	simm.s32 $0x0;
	s5 =	sshll.u32 s5, $0x1;
	s6 =	sadd.s32 s21, s4  }
0xa3: {  	[timem:s22], [sflag:s7] =	dma.local [hbm:s6], s5  }
0xa4: {  	_ =	swait.ge [sflag:s7], s5  }
0xa5: {  	s5 =	ssub.s32 $0x0, s5;
	[sflag:s7] =	ssyncset.done $0x0  }
0xa6: {  	[sflag:s7] =	ssyncadd.s32 s5;
	_ =	sdelay $0x1  }
0xa7: {  	s23 =	simm.s32 $0x1B8B  }
0xa8: {  	_ =	swait.ge [sflag:s23], $0x1  }
0xa9: {  	[sflag:s23] =	ssyncset.done $0x0  }
0xaa: {  	[sflag:s23] =	ssyncadd.s32 $0xFFFFFFFF  }
0xab: {  	s5 =	sld [smem:$0x0]  }
0xac: {  	s6 =	sand.u32 $0xFFFFFFFE, s1  }
0xad: {  	p0 =	sne.s32 s1, s6  }
0xae: {  	s6 =	sshll.u32 @p0 s6, $0xE  }
0xaf: {  	s6 =	sadd.s32 @p0 $0x11B8D, s6;
	s7 =	sshll.u32 @p0 s5, $0x11  }
0xb0: {  	s6 =	sor.u32 @p0 s7, s6  }
0xb1: {  	[sflag:s6] =	ssyncadd.remote.s32 @p0 $0x1;
	_ =	sdelay $0x1  }
0xb2: {  	s6 =	simm.s32 @p0 $0x1B8D  }
0xb3: {  	_ =	swait.eq @p0 [sflag:s6], $0x1  }
0xb4: {  	[sflag:s6] =	ssyncadd.s32 @p0 $0xFFFFFFFF  }
0xb5: {  	s7 =	sshll.u32 @!p0 s1, $0xE  }
0xb6: {  	s7 =	sor.u32 @!p0 $0x4000, s7;
	s6 =	simm.s32 @!p0 $0x1B8D  }
0xb7: {  	s5 =	sshll.u32 @!p0 s5, $0x11;
	s7 =	sadd.s32 @!p0 $0x11B8D, s7;
	_ =	swait.eq @!p0 [sflag:s6], $0x1  }
0xb8: {  	s5 =	sor.u32 @!p0 s5, s7;
	[sflag:s6] =	ssyncadd.s32 @!p0 $0xFFFFFFFF  }
0xb9: {  	s25 =	simm.s32 $0x1B8E;
	s24 =	sld [smem:$0x3FFE];
	[sflag:s5] =	ssyncadd.remote.s32 @!p0 $0x1  }
0xba: {  	s26 =	simm.s32 $execute0_lowered;
	[smem:$0x3FD2] =	sst s25  }
0xbb: {  	s6 =	sshll.u32 s26, $0x1;
	_ =	strace $0x80000049;
	[dreg:$0x1] =	wrdreg $0xFFFFFFFF  }
0xbc: {  	s28 =	simm.s32 $_size_execute0_lowered;
	s4 =	sadd.s32 s4, s6;
	[dreg:$0x0] =	wrdreg $0x0  }
0xbd: {  	s6 =	sshll.u32 s28, $0x1;
	[dreg:$0x2] =	wrdreg s4  }
0xbe: {  	[dreg:$0x3] =	wrdreg s6  }
0xbf: {  	[dreg:$0x4] =	wrdreg $0xC0  }
0xc0: {  	_ =	task [dreg:s22], $0x5FFFF  }
0xc1: {  	[dreg:$0x1] =	wrdreg $0xFFFFFFFF  }
0xc2: {  	[dreg:$0x0] =	wrdreg $0x60  }
0xc3: {  	[dreg:$0x2] =	wrdreg s17  }
0xc4: {  	[dreg:$0x3] =	wrdreg s24  }
0xc5: {  	[dreg:$0x4] =	wrdreg $0xA  }
0xc6: {  	_ =	task.clear_ibuf [dreg:s22], $0x5FFFF;
	_ =	strace $0x90000049  }
0xc7: {  	s29 =	simm.s32 $0xA;
	_ =	strace $0x8000004B  }
0xc8: {  	_ =	swait.ge [sflag:s29], $0x1  }
0xc9: {  	[sflag:s29] =	ssyncadd.s32 $0xFFFFFFFF  }
0xca: {  	_ =	strace $0x9000004B  }
0xcb: {  	_ =	sfence  }
0xcc: {  	s30 =	sld [smem:$0x0];
	_ =	sdelay $0x2  }
0xcd: {  	s31 =	sshll.u32 s1, $0xD;
	s1 =	sshrl.u32 s1, $0x2  }
0xce: {  	s4 =	sand.u32 $0x4000, s31;
	s1 =	sadd.s32 s1, s30  }
0xcf: {  	s0 =	sor.u32 s4, s0;
	s1 =	sshll.u32 s1, $0x11  }
0xd0: {  	s0 =	sor.u32 s1, s0  }
0xd1: {  	s0 =	sadd.s32 $0x8F2B, s0  }
0xd2: {  	[sflag:s0] =	ssyncadd.remote.s32 $0x1  }
0xd3: {  	_ =	sfence.sel $0xFFFF  }
0xd4: {  	[dreg:$0x0] =	wrdreg $0xFFFFFFFF;
	(pc) =	sbr.abs _section_cstart, $3  }
0xd5: {  	[dreg:$0x1] =	wrdreg $0xFFFFFFFF  }
0xd6: {  	_ =	task.clear_ibuf [dreg:s22], $0x2FFFF;
	_ =	strace $0x9FFFFFFF  }
0xd7: {  	(tm) =	ssettm $0x7FFFFFFF  }
tec
execute0_lowered:
.L_overlay_start_1:
0x0: {  	(tag) =	ssettag $0x1  }
0x1: {  	s3 =	rddreg [dreg:$0x0]  }
0x2: {  	s4 =	rddreg [dreg:$0x1]  }
0x3: {  	s0 =	rddreg [dreg:$0x2]  }
0x4: {  	s5 =	srdreg.scid;
	s1 =	stileid.u32  }
0x5: {  	s2 =	simm.s32 $0x0;
	s9 =	simm.s32 $0x1;
	s10 =	simm.s32 $0x400  }
0x6: {  	s11 =	simm.s32 $0x480;
	s12 =	simm.s32 $0x500;
	s13 =	simm.s32 $0x580  }
0x7: {  	s14 =	simm.s32 $0x0;
	s5 =	sand.u32 $0x1, s5;
	s6 =	sshll.u32 s1, $0x1  }
0x8: {  	[smem:$0x7FF] =	sst s2;
	s6 =	sor.u32 s5, s6;
	s5 =	ssub.s32 $0x2, s5  }
0x9: {  	_ =	strace $0x8000004A;
	s7 =	sshll.u32 s6, $0x4;
	s8 =	sshrl.u32 s5, $0x1  }
0xa: {  	s31 =	sshll.u32 s6, $0x7;
	s7 =	sadd.s32 s7, s4;
	s8 =	ssub.s32 s5, s8  }
0xb: {  	s3 =	sadd.s32 s3, s31;
	s4 =	sadd.s32 $0xB800, s7;
	s5 =	sadd.s32 $0xBA00, s7  }
0xc: {  	v0 =	vimm.s32 $0x7;
	s6 =	sadd.s32 $0xB400, s7;
	s7 =	sadd.s32 $0xB600, s7;
	s8 =	smax.u32 s8, $0x1  }
.LBB2_1:
0xd: {  	[tilespmem:s2], [sflag:$0x1] =	stream.linear.gather [hbm4b:s3+s2], $0x400, $0x38;
	[tilespmem:$0x600] =	vst v63  }
0xe: {  	_ =	swait.ge [sflag:s9], $0x400  }
0xf: {  	[sflag:s9] =	ssyncset.done $0x0  }
0x10: {  	s15 =	simm.s32 $0x0;
	[sflag:s9] =	ssyncadd.s32 $0xFFFFFC00  }
0x11: {  	v1 =	vld [tilespmem:s15+$0x0]  }
0x12: {  	v2 =	vld [tilespmem:s15+$0x80]  }
0x13: {  	v3 =	vld [tilespmem:s15+$0x100]  }
0x14: {  	v4 =	vld [tilespmem:s15+$0x180]  }
0x15: {  	v5 =	vld [tilespmem:s15+$0x200]  }
0x16: {  	v6 =	vld [tilespmem:s15+$0x280]  }
0x17: {  	v7 =	vld [tilespmem:s15+$0x300];
	v8 =	vmax.f32 v1, v2  }
0x18: {  	v9 =	vld [tilespmem:s15+$0x380];
	v8 =	vmax.f32 v8, v3  }
0x19: {  	v8 =	vmax.f32 v8, v4  }
0x1a: {  	v8 =	vmax.f32 v8, v5  }
0x1b: {  	v8 =	vmax.f32 v8, v6  }
0x1c: {  	v8 =	vmax.f32 v8, v7  }
0x1d: {  	v8 =	vmax.f32 v8, v9  }
0x1e: {  	v1 =	vsub.f32 v1, v8  }
0x1f: {  	v2 =	vsub.f32 v2, v8  }
0x20: {  	v3 =	vsub.f32 v3, v8;
	v1 =	vmul.f32 $1.442695020e+00, v1  }
0x21: {  	v4 =	vsub.f32 v4, v8;
	v2 =	vmul.f32 $1.442695020e+00, v2  }
0x22: {  	v5 =	vsub.f32 v5, v8;
	v3 =	vmul.f32 $1.442695020e+00, v3;
	(erf) = vpow2.f32 v1  }
0x23: {  	v4 =	vmul.f32 $1.442695020e+00, v4;
	v1 =	vsub.f32 v6, v8;
	(erf) = vpow2.f32 v2  }
0x24: {  	s16 =	simm.s32 $0x10;
	v5 =	vmul.f32 $1.442695020e+00, v5;
	v2 =	vsub.f32 v7, v8;
	(erf) = vpow2.f32 v3  }
0x25: {  	v3 =	vsub.f32 v9, v8;
	v1 =	vmul.f32 $1.442695020e+00, v1;
	(erf) = vpow2.f32 v4;
	v4 =	vld [tilespmem:s16+$0x0]  }
0x26: {  	v2 =	vmul.f32 $1.442695020e+00, v2;
	(erf) = vpow2.f32 v5;
	v5 =	vld [tilespmem:s16+$0x80]  }
0x27: {  	v6 =	vld [tilespmem:s16+$0x100];
	v3 =	vmul.f32 $1.442695020e+00, v3;
	(erf) = vpow2.f32 v1  }
0x28: {  	(erf) = vpow2.f32 v2;
	v2 =	vld [tilespmem:s16+$0x180]  }
0x29: {  	(erf) = vpow2.f32 v3;
	v3 =	vld [tilespmem:s16+$0x200]  }
0x2a: {  	v7 =	vld [tilespmem:s16+$0x280]  }
0x2b: {  	v1 =	vld [tilespmem:s16+$0x300];
	v9 =	vmax.f32 v4, v5  }
0x2c: {  	v11 =	vld [tilespmem:s16+$0x380];
	v8 =	vpop (erf);
	v9 =	vmax.f32 v9, v6  }
0x2d: {  	v10 =	vpop (erf);
	v9 =	vmax.f32 v9, v2  }
0x2e: {  	v12 =	vmax.f32 v8, v10;
	v13 =	vpop (erf);
	v9 =	vmax.f32 v9, v3  }
0x2f: {  	v12 =	vmax.f32 v12, v13;
	v14 =	vpop (erf);
	v9 =	vmax.f32 v9, v7  }
0x30: {  	v16 =	vadd.f32 v10, v8;
	v12 =	vmax.f32 v12, v14;
	v15 =	vpop (erf);
	v9 =	vmax.f32 v9, v1  }
0x31: {  	v12 =	vmax.f32 v12, v15;
	v17 =	vpop (erf);
	v9 =	vmax.f32 v9, v11  }
0x32: {  	v16 =	vadd.f32 v16, v13;
	v12 =	vmax.f32 v12, v17;
	v18 =	vpop (erf);
	v20 =	vsub.f32 v1, v9  }
0x33: {  	v12 =	vmax.f32 v12, v18;
	v19 =	vpop (erf);
	v11 =	vsub.f32 v11, v9;
	v3 =	vsub.f32 v3, v9  }
0x34: {  	v7 =	vsub.f32 v7, v9;
	v6 =	vsub.f32 v6, v9;
	v1 =	vmax.f32 v12, v19  }
0x35: {  	v21 =	vsub.f32 v2, v9;
	v4 =	vsub.f32 v4, v9;
	vm0 =	veq.f32 v18, v1  }
0x36: {  	v5 =	vsub.f32 v5, v9;
	vm14 =	veq.f32 v17, v1;
	v12 =	vsel vm0, $0x6, v0  }
0x37: {  	vm15 =	veq.f32 v15, v1;
	vm4 =	veq.f32 v14, v1;
	v2 =	vsel vm14, $0x5, v12  }
0x38: {  	vm5 =	veq.f32 v13, v1;
	v9 =	vmul.f32 $1.442695020e+00, v11;
	v2 =	vsel vm15, $0x4, v2  }
0x39: {  	vm6 =	veq.f32 v10, v1;
	v11 =	vmul.f32 $1.442695020e+00, v20;
	v2 =	vsel vm4, $0x3, v2  }
0x3a: {  	vm1 =	vne.f32 v8, v1;
	v7 =	vmul.f32 $1.442695020e+00, v7;
	v2 =	vsel vm5, $0x2, v2  }
0x3b: {  	v4 =	vmul.f32 $1.442695020e+00, v4;
	v5 =	vmul.f32 $1.442695020e+00, v5;
	v2 =	vsel vm6, $0x1, v2  }
0x3c: {  	v6 =	vmul.f32 $1.442695020e+00, v6;
	vm0 =	vmand vm1, vm6;
	v12 =	vnsel vm1, $0x0, v2  }
0x3d: {  	v8 =	vnsel vm1, $0xBF800000, v8;
	v10 =	vsel vm0, $0xBF800000, v10;
	vm7 =	veq.s32 v12, $0x2  }
0x3e: {  	v2 =	vmax.f32 v8, v10;
	vm8 =	veq.s32 v12, $0x3;
	v13 =	vsel vm7, $0xBF800000, v13  }
0x3f: {  	vm9 =	veq.s32 v12, $0x4;
	v20 =	vsel vm8, $0xBF800000, v14;
	v2 =	vmax.f32 v2, v13  }
0x40: {  	vm10 =	veq.s32 v12, $0x5;
	v22 =	vsel vm9, $0xBF800000, v15;
	v2 =	vmax.f32 v2, v20  }
0x41: {  	vm11 =	veq.s32 v12, $0x6;
	v23 =	vsel vm10, $0xBF800000, v17;
	v2 =	vmax.f32 v2, v22  }
0x42: {  	vm12 =	veq.s32 v12, $0x7;
	v24 =	vsel vm11, $0xBF800000, v18;
	v2 =	vmax.f32 v2, v23  }
0x43: {  	(erf) = vpow2.f32 v4;
	v25 =	vsel vm12, $0xBF800000, v19;
	v2 =	vmax.f32 v2, v24  }
0x44: {  	v4 =	vmul.f32 $1.442695020e+00, v21;
	(erf) = vpow2.f32 v5;
	v2 =	vmax.f32 v2, v25  }
0x45: {  	v3 =	vmul.f32 $1.442695020e+00, v3;
	(erf) = vpow2.f32 v6;
	vm13 =	veq.f32 v24, v2  }
0x46: {  	s17 =	simm.s32 $0x20;
	(erf) = vpow2.f32 v4;
	[tilespmem:s15+$0x400] =	vst v12;
	vm14 =	veq.f32 v23, v2;
	v5 =	vsel vm13, $0x6, v0  }
0x47: {  	(erf) = vpow2.f32 v3;
	v6 =	vld [tilespmem:s17+$0x0];
	vm15 =	veq.f32 v22, v2;
	v4 =	vsel vm14, $0x5, v5  }
0x48: {  	(erf) = vpow2.f32 v7;
	vm4 =	veq.f32 v20, v2;
	v5 =	vld [tilespmem:s17+$0x80];
	v3 =	vsel vm15, $0x4, v4  }
0x49: {  	(erf) = vpow2.f32 v11;
	vm5 =	veq.f32 v13, v2;
	v4 =	vld [tilespmem:s17+$0x100];
	v3 =	vsel vm4, $0x3, v3  }
0x4a: {  	v7 =	vld [tilespmem:s17+$0x180];
	(erf) = vpow2.f32 v9;
	vm6 =	veq.f32 v10, v2;
	v3 =	vsel vm5, $0x2, v3  }
0x4b: {  	v9 =	vadd.f32 v16, v14;
	v10 =	vld [tilespmem:s17+$0x200];
	vm7 =	veq.f32 v8, v2;
	v3 =	vsel vm6, $0x1, v3  }
0x4c: {  	v8 =	vld [tilespmem:s17+$0x280];
	v3 =	vsel vm7, $0x0, v3  }
0x4d: {  	v11 =	vld [tilespmem:s17+$0x300];
	v9 =	vadd.f32 v9, v15;
	v13 =	vmax.f32 v6, v5;
	[tilespmem:s15+$0x480] =	vst v3  }
0x4e: {  	v12 =	vpop (erf);
	v3 =	vmax.f32 v13, v4;
	v15 =	vld [tilespmem:s17+$0x380]  }
0x4f: {  	v14 =	vpop (erf);
	v9 =	vadd.f32 v9, v17;
	v3 =	vmax.f32 v3, v7  }
0x50: {  	v16 =	vpop (erf);
	v20 =	vadd.f32 v14, v12;
	v13 =	vmax.f32 v12, v14;
	v3 =	vmax.f32 v3, v10  }
0x51: {  	v17 =	vpop (erf);
	v9 =	vadd.f32 v9, v18;
	v13 =	vmax.f32 v13, v16;
	v3 =	vmax.f32 v3, v8  }
0x52: {  	v21 =	vpop (erf);
	v20 =	vadd.f32 v20, v16;
	v13 =	vmax.f32 v13, v17;
	v3 =	vmax.f32 v3, v11  }
0x53: {  	v18 =	vpop (erf);
	v9 =	vadd.f32 v9, v19;
	v13 =	vmax.f32 v13, v21;
	v19 =	vmax.f32 v3, v15  }
0x54: {  	v22 =	vpop (erf);
	v24 =	vadd.f32 v20, v17;
	v13 =	vmax.f32 v13, v18;
	v11 =	vsub.f32 v11, v19  }
0x55: {  	v23 =	vpop (erf);
	v3 =	vmax.f32 v13, v22;
	v13 =	vsub.f32 v15, v19;
	v10 =	vsub.f32 v10, v19  }
0x56: {  	v3 =	vmax.f32 v3, v23;
	v8 =	vsub.f32 v8, v19;
	v4 =	vsub.f32 v4, v19  }
0x57: {  	v7 =	vsub.f32 v7, v19;
	v6 =	vsub.f32 v6, v19;
	vm8 =	veq.f32 v22, v3  }
0x58: {  	v5 =	vsub.f32 v5, v19;
	vm9 =	veq.f32 v18, v3;
	v15 =	vsel vm8, $0x6, v0  }
0x59: {  	vm10 =	veq.f32 v21, v3;
	vm11 =	veq.f32 v17, v3;
	v15 =	vsel vm9, $0x5, v15  }
0x5a: {  	vm12 =	veq.f32 v16, v3;
	vm13 =	veq.f32 v14, v3;
	v15 =	vsel vm10, $0x4, v15  }
0x5b: {  	vm14 =	vne.f32 v12, v3;
	v25 =	vmul.f32 $1.442695020e+00, v13;
	v15 =	vsel vm11, $0x3, v15  }
0x5c: {  	v11 =	vmul.f32 $1.442695020e+00, v11;
	v6 =	vmul.f32 $1.442695020e+00, v6;
	v15 =	vsel vm12, $0x2, v15  }
0x5d: {  	vm0 =	vmand vm14, vm13;
	v5 =	vmul.f32 $1.442695020e+00, v5;
	v13 =	vsel vm13, $0x1, v15  }
0x5e: {  	v12 =	vnsel vm14, $0xBF800000, v12;
	(erf) = vpow2.f32 v6;
	v13 =	vnsel vm14, $0x0, v13  }
0x5f: {  	(erf) = vpow2.f32 v5;
	v15 =	vsel vm0, $0xBF800000, v14;
	vm15 =	veq.s32 v13, $0x2  }
0x60: {  	v14 =	vmax.f32 v12, v15;
	vm4 =	veq.s32 v13, $0x3;
	v16 =	vsel vm15, $0xBF800000, v16  }
0x61: {  	vm5 =	veq.s32 v13, $0x4;
	v17 =	vsel vm4, $0xBF800000, v17;
	v14 =	vmax.f32 v14, v16  }
0x62: {  	vm6 =	veq.s32 v13, $0x5;
	v19 =	vsel vm5, $0xBF800000, v21;
	v14 =	vmax.f32 v14, v17  }
0x63: {  	vm7 =	veq.s32 v13, $0x6;
	v20 =	vsel vm6, $0xBF800000, v18;
	v14 =	vmax.f32 v14, v19  }
0x64: {  	vm8 =	veq.s32 v13, $0x7;
	v26 =	vsel vm7, $0xBF800000, v22;
	v6 =	vmax.f32 v14, v20  }
0x65: {  	v27 =	vmul.f32 $1.442695020e+00, v4;
	v14 =	vsel vm8, $0xBF800000, v23;
	v6 =	vmax.f32 v6, v26  }
0x66: {  	v8 =	vmul.f32 $1.442695020e+00, v8;
	v4 =	vmax.f32 v6, v14;
	v6 =	vmul.f32 $1.442695020e+00, v7  }
0x67: {  	s18 =	simm.s32 $0x30;
	v10 =	vmul.f32 $1.442695020e+00, v10;
	(erf) = vpow2.f32 v27;
	[tilespmem:s16+$0x400] =	vst v13  }
0x68: {  	v13 =	vld [tilespmem:s18+$0x0];
	vm9 =	veq.f32 v26, v4;
	vm10 =	veq.f32 v20, v4;
	(erf) = vpow2.f32 v6  }
0x69: {  	v14 =	vld [tilespmem:s18+$0x80];
	vm11 =	veq.f32 v19, v4;
	vm12 =	veq.f32 v17, v4;
	v5 =	vsel vm9, $0x6, v0  }
0x6a: {  	v19 =	vld [tilespmem:s18+$0x100];
	vm13 =	veq.f32 v16, v4;
	vm14 =	veq.f32 v15, v4;
	v5 =	vsel vm10, $0x5, v5  }
0x6b: {  	v20 =	vld [tilespmem:s18+$0x180];
	v6 =	vadd.f32 v24, v21;
	(erf) = vpow2.f32 v10;
	v5 =	vsel vm11, $0x4, v5  }
0x6c: {  	v26 =	vld [tilespmem:s18+$0x200];
	vm15 =	veq.f32 v12, v4;
	v15 =	vpop (erf);
	(erf) = vpow2.f32 v8;
	v5 =	vsel vm12, $0x3, v5  }
0x6d: {  	v12 =	vld [tilespmem:s18+$0x280];
	v16 =	vpop (erf);
	v6 =	vadd.f32 v6, v18;
	(erf) = vpow2.f32 v11;
	v5 =	vsel vm13, $0x2, v5  }
0x6e: {  	v21 =	vld [tilespmem:s18+$0x300];
	v8 =	vadd.f32 v16, v15;
	v7 =	vmax.f32 v13, v14;
	v5 =	vsel vm14, $0x1, v5  }
0x6f: {  	(erf) = vpow2.f32 v25;
	v7 =	vmax.f32 v7, v19;
	v5 =	vsel vm15, $0x0, v5  }
0x70: {  	v18 =	vpop (erf);
	(erf) = vrcp.f32 v9;
	v7 =	vmax.f32 v7, v20;
	v9 =	vmax.f32 v15, v16;
	[tilespmem:s16+$0x480] =	vst v5  }
0x71: {  	v7 =	vmax.f32 v7, v26;
	v9 =	vmax.f32 v9, v18;
	v5 =	vld [tilespmem:s18+$0x380];
	v17 =	vpop (erf)  }
0x72: {  	v11 =	vadd.f32 v8, v18;
	v7 =	vmax.f32 v7, v12;
	v8 =	vmax.f32 v9, v17  }
0x73: {  	v7 =	vmax.f32 v7, v21  }
0x74: {  	v6 =	vadd.f32 v6, v22;
	v9 =	vpop (erf)  }
0x75: {  	v22 =	vmax.f32 v8, v9;
	v8 =	vpop (erf)  }
0x76: {  	v10 =	vadd.f32 v6, v23;
	v23 =	vmax.f32 v7, v5;
	v6 =	vmax.f32 v22, v8;
	v7 =	vpop (erf)  }
0x77: {  	v25 =	vsub.f32 v5, v23;
	v5 =	vmax.f32 v6, v7;
	_ =	sdelay $0x1  }
0x78: {  	v11 =	vadd.f32 v11, v17;
	v22 =	vsub.f32 v21, v23;
	v6 =	vpop (erf)  }
0x79: {  	s19 =	simm.s32 $0x100;
	v21 =	vsub.f32 v26, v23;
	v24 =	vsub.f32 v12, v23;
	v12 =	vmax.f32 v5, v6;
	v5 =	vpop (erf)  }
.LBB2_2:
0x7a: {  	p0 =	sne.s32 s19, $0x1C0;
	v19 =	vsub.f32 v19, v23;
	v20 =	vsub.f32 v20, v23;
	vm0 =	veq.f32 v7, v12;
	v26 =	vmovc v4  }
0x7b: {  	v4 =	vsub.f32 v13, v23;
	v27 =	vmovc v1;
	v1 =	vmovc v3;
	v13 =	vsel vm0, $0x6, v0;
	vm0 =	veq.f32 v8, v12  }
0x7c: {  	v14 =	vsub.f32 v14, v23;
	v3 =	vmovc v12;
	v13 =	vsel vm0, $0x5, v13;
	vm0 =	veq.f32 v9, v12  }
0x7d: {  	v12 =	vmul.f32 $1.442695020e+00, v25;
	v13 =	vsel vm0, $0x4, v13;
	vm0 =	veq.f32 v17, v3  }
0x7e: {  	v22 =	vmul.f32 $1.442695020e+00, v22;
	v13 =	vsel vm0, $0x3, v13;
	vm0 =	veq.f32 v18, v3  }
0x7f: {  	v23 =	vmul.f32 $1.442695020e+00, v24;
	v13 =	vsel vm0, $0x2, v13;
	vm0 =	veq.f32 v16, v3  }
0x80: {  	v21 =	vmul.f32 $1.442695020e+00, v21;
	vm1 =	vne.f32 v15, v3;
	v13 =	vsel vm0, $0x1, v13  }
0x81: {  	v4 =	vmul.f32 $1.442695020e+00, v4;
	vm0 =	vmand vm1, vm0;
	v13 =	vnsel vm1, $0x0, v13  }
0x82: {  	v15 =	vnsel vm1, $0xBF800000, v15;
	v16 =	vsel vm0, $0xBF800000, v16;
	vm0 =	veq.s32 v13, $0x2;
	[tilespmem:s17+$0x400] =	vst v13  }
0x83: {  	v24 =	vmax.f32 v15, v16;
	v18 =	vsel vm0, $0xBF800000, v18;
	vm0 =	veq.s32 v13, $0x3  }
0x84: {  	v17 =	vsel vm0, $0xBF800000, v17;
	vm0 =	veq.s32 v13, $0x4;
	v24 =	vmax.f32 v24, v18  }
0x85: {  	v25 =	vsel vm0, $0xBF800000, v9;
	vm0 =	veq.s32 v13, $0x5;
	v24 =	vmax.f32 v24, v17  }
0x86: {  	v28 =	vsel vm0, $0xBF800000, v8;
	vm0 =	veq.s32 v13, $0x6;
	v24 =	vmax.f32 v24, v25  }
0x87: {  	v29 =	vsel vm0, $0xBF800000, v7;
	vm0 =	veq.s32 v13, $0x7;
	v13 =	vmax.f32 v24, v28  }
0x88: {  	v14 =	vmul.f32 $1.442695020e+00, v14;
	v24 =	vsel vm0, $0xBF800000, v6;
	v13 =	vmax.f32 v13, v29  }
0x89: {  	v19 =	vmul.f32 $1.442695020e+00, v19;
	(erf) = vpow2.f32 v4;
	v4 =	vmax.f32 v13, v24  }
0x8a: {  	v20 =	vmul.f32 $1.442695020e+00, v20;
	(erf) = vpow2.f32 v14;
	vm0 =	veq.f32 v29, v4  }
0x8b: {  	s20 =	sshra.s32 s19, $0x2;
	(erf) = vpow2.f32 v19;
	v14 =	vsel vm0, $0x6, v0;
	vm0 =	veq.f32 v28, v4  }
0x8c: {  	v13 =	vld [tilespmem:s20+$0x0];
	(erf) = vpow2.f32 v20;
	v19 =	vsel vm0, $0x5, v14;
	vm0 =	veq.f32 v25, v4  }
0x8d: {  	v14 =	vld [tilespmem:s20+$0x80];
	(erf) = vpow2.f32 v21;
	v20 =	vsel vm0, $0x4, v19;
	vm0 =	veq.f32 v17, v4  }
0x8e: {  	v19 =	vld [tilespmem:s20+$0x100];
	(erf) = vpow2.f32 v23;
	v17 =	vsel vm0, $0x3, v20;
	vm0 =	veq.f32 v18, v4  }
0x8f: {  	v20 =	vld [tilespmem:s20+$0x180];
	(erf) = vpow2.f32 v22;
	v17 =	vsel vm0, $0x2, v17;
	vm0 =	veq.f32 v16, v4  }
0x90: {  	v21 =	vld [tilespmem:s20+$0x200];
	(erf) = vpow2.f32 v12;
	v12 =	vsel vm0, $0x1, v17;
	vm0 =	veq.f32 v15, v4  }
0x91: {  	v9 =	vadd.f32 v11, v9;
	v24 =	vld [tilespmem:s20+$0x280];
	v11 =	vsel vm0, $0x0, v12;
	(erf) = vrcp.f32 v10  }
0x92: {  	v12 =	vld [tilespmem:s20+$0x300];
	v10 =	vmax.f32 v13, v14;
	v15 =	vpop (erf);
	[tilespmem:s17+$0x480] =	vst v11;
	v11 =	vmul.f32 v5, v27;
	v5 =	vmul.f32 v2, v5  }
0x93: {  	v8 =	vadd.f32 v9, v8;
	v2 =	vmov v26;
	v25 =	vld [tilespmem:s20+$0x380];
	v10 =	vmax.f32 v10, v19;
	v16 =	vpop (erf)  }
0x94: {  	v26 =	vmax.f32 v10, v20;
	v10 =	vadd.f32 v16, v15;
	v22 =	vmax.f32 v15, v16;
	v18 =	vpop (erf);
	[tilespmem:s15+$0x500] =	vst v11  }
0x95: {  	v27 =	vadd.f32 v8, v7;
	v23 =	vmax.f32 v26, v21;
	v11 =	vmax.f32 v22, v18;
	v17 =	vpop (erf);
	[tilespmem:s15+$0x580] =	vst v5;
	s15 =	smov.u32 s16;
	s16 =	smov.u32 s17;
	s17 =	smov.u32 s18  }
.Ltmp0:
0x96: {  	s18 =	smov.u32 s20;
	v5 =	vmax.f32 v23, v24;
	v22 =	vadd.f32 v10, v18;
	v10 =	vmax.f32 v11, v17;
	v9 =	vpop (erf);
	(pc) =	sbr.rel @p0 .LBB2_2-.Ltmp0, $4  }
0x97: {  	v5 =	vmax.f32 v5, v12;
	v26 =	vmax.f32 v10, v9;
	v8 =	vpop (erf);
	v10 =	vadd.f32 v27, v6  }
0x98: {  	v23 =	vmax.f32 v5, v25;
	v11 =	vadd.f32 v22, v17;
	v27 =	vmax.f32 v26, v8;
	v7 =	vpop (erf)  }
0x99: {  	v22 =	vsub.f32 v12, v23;
	v25 =	vsub.f32 v25, v23;
	v26 =	vmax.f32 v27, v7;
	v6 =	vpop (erf)  }
0x9a: {  	s19 =	sadd.s32 $0x40, s19;
	v21 =	vsub.f32 v21, v23;
	v24 =	vsub.f32 v24, v23;
	v12 =	vmax.f32 v26, v6;
	v5 =	vpop (erf)  }
0x9b: {  	v19 =	vsub.f32 v19, v23  }
0x9c: {  	vm0 =	veq.f32 v7, v12;
	v20 =	vsub.f32 v20, v23;
	vm14 =	veq.f32 v8, v12  }
0x9d: {  	v13 =	vsub.f32 v13, v23;
	vm15 =	veq.f32 v9, v12;
	v14 =	vsub.f32 v14, v23  }
0x9e: {  	vm4 =	veq.f32 v17, v12;
	v25 =	vmul.f32 $1.442695020e+00, v25;
	v22 =	vmul.f32 $1.442695020e+00, v22  }
0x9f: {  	vm5 =	veq.f32 v18, v12;
	vm6 =	veq.f32 v16, v12;
	vm1 =	vne.f32 v15, v12  }
0xa0: {  	v40 =	vadd.f32 v11, v9;
	v1 =	vmul.f32 v5, v1;
	v24 =	vmul.f32 $1.442695020e+00, v24  }
0xa1: {  	v26 =	vsel vm0, $0x6, v0;
	v51 =	vmul.f32 $1.442695020e+00, v21;
	v13 =	vmul.f32 $1.442695020e+00, v13  }
0xa2: {  	vm0 =	vmand vm1, vm6;
	v15 =	vnsel vm1, $0xBF800000, v15;
	v14 =	vmul.f32 $1.442695020e+00, v14  }
0xa3: {  	v26 =	vsel vm14, $0x5, v26;
	v19 =	vmul.f32 $1.442695020e+00, v19;
	(erf) = vpow2.f32 v13  }
0xa4: {  	v50 =	vmul.f32 $1.442695020e+00, v20;
	v49 =	vsel vm15, $0x4, v26;
	(erf) = vpow2.f32 v14  }
0xa5: {  	v42 =	vadd.f32 v40, v8;
	v23 =	vsel vm4, $0x3, v49;
	(erf) = vpow2.f32 v19  }
0xa6: {  	v13 =	vsel vm0, $0xBF800000, v16;
	v23 =	vsel vm5, $0x2, v23;
	(erf) = vpow2.f32 v50  }
0xa7: {  	v45 =	vadd.f32 v42, v7;
	v23 =	vsel vm6, $0x1, v23;
	(erf) = vpow2.f32 v51  }
0xa8: {  	v16 =	vmax.f32 v15, v13;
	v20 =	vnsel vm1, $0x0, v23;
	(erf) = vpow2.f32 v24  }
0xa9: {  	v48 =	vadd.f32 v45, v6;
	vm7 =	veq.s32 v20, $0x2;
	(erf) = vpow2.f32 v22  }
0xaa: {  	vm8 =	veq.s32 v20, $0x3;
	vm9 =	veq.s32 v20, $0x4;
	(erf) = vpow2.f32 v25  }
0xab: {  	vm10 =	veq.s32 v20, $0x5;
	vm11 =	veq.s32 v20, $0x6;
	v52 =	vsel vm7, $0xBF800000, v18  }
0xac: {  	vm12 =	veq.s32 v20, $0x7;
	v53 =	vsel vm8, $0xBF800000, v17;
	v16 =	vmax.f32 v16, v52;
	v56 =	vpop (erf)  }
0xad: {  	v54 =	vsel vm9, $0xBF800000, v9;
	v55 =	vsel vm10, $0xBF800000, v8;
	v16 =	vmax.f32 v16, v53;
	v58 =	vpop (erf)  }
0xae: {  	v57 =	vsel vm11, $0xBF800000, v7;
	v16 =	vmax.f32 v16, v54;
	v60 =	vmax.f32 v56, v58;
	v61 =	vpop (erf)  }
0xaf: {  	v59 =	vsel vm12, $0xBF800000, v6;
	v16 =	vmax.f32 v16, v55;
	v62 =	vmax.f32 v60, v61;
	v63 =	vpop (erf)  }
0xb0: {  	(erf) = vrcp.f32 v10;
	v16 =	vmax.f32 v16, v57;
	v30 =	vmax.f32 v62, v63;
	v31 =	vpop (erf)  }
0xb1: {  	v16 =	vmax.f32 v16, v59;
	v44 =	vadd.f32 v58, v56;
	v32 =	vmax.f32 v30, v31;
	v33 =	vpop (erf)  }
0xb2: {  	vm13 =	veq.f32 v57, v16;
	vm14 =	veq.f32 v55, v16;
	v34 =	vmax.f32 v32, v33;
	v35 =	vpop (erf)  }
0xb3: {  	vm15 =	veq.f32 v54, v16;
	vm4 =	veq.f32 v53, v16;
	v36 =	vmax.f32 v34, v35;
	v37 =	vpop (erf)  }
0xb4: {  	vm5 =	veq.f32 v52, v16;
	v27 =	vsel vm13, $0x6, v0;
	v38 =	vmax.f32 v36, v37  }
0xb5: {  	v47 =	vadd.f32 v44, v61;
	v27 =	vsel vm14, $0x5, v27;
	vm6 =	veq.f32 v35, v38  }
0xb6: {  	v27 =	vsel vm15, $0x4, v27;
	vm7 =	veq.f32 v33, v38;
	v41 =	vsel vm6, $0x6, v0  }
0xb7: {  	v50 =	vadd.f32 v47, v63;
	vm8 =	veq.f32 v31, v38;
	v43 =	vsel vm7, $0x5, v41  }
0xb8: {  	vm9 =	veq.f32 v63, v38;
	vm10 =	veq.f32 v61, v38;
	v9 =	vsel vm8, $0x4, v43  }
0xb9: {  	vm11 =	veq.f32 v58, v38;
	vm12 =	vne.f32 v56, v38;
	v46 =	vsel vm9, $0x3, v9  }
0xba: {  	v27 =	vsel vm4, $0x3, v27;
	vm0 =	vmand vm12, vm11;
	v8 =	vsel vm10, $0x2, v46  }
0xbb: {  	v51 =	vnsel vm12, $0xBF800000, v56;
	v52 =	vsel vm0, $0xBF800000, v58;
	v49 =	vsel vm11, $0x1, v8  }
0xbc: {  	v39 =	vsel vm5, $0x2, v27;
	v21 =	vmax.f32 v51, v52;
	v7 =	vnsel vm12, $0x0, v49  }
0xbd: {  	v8 =	vadd.f32 v50, v31;
	vm13 =	veq.s32 v7, $0x2;
	vm14 =	veq.s32 v7, $0x3  }
0xbe: {  	vm15 =	veq.s32 v7, $0x4;
	vm4 =	veq.s32 v7, $0x5;
	v53 =	vsel vm13, $0xBF800000, v61  }
0xbf: {  	vm5 =	veq.s32 v7, $0x6;
	v54 =	vsel vm14, $0xBF800000, v63;
	v21 =	vmax.f32 v21, v53  }
0xc0: {  	v8 =	vadd.f32 v8, v33;
	v24 =	vsel vm15, $0xBF800000, v31;
	v21 =	vmax.f32 v21, v54  }
0xc1: {  	vm6 =	veq.s32 v7, $0x7;
	v22 =	vsel vm4, $0xBF800000, v33;
	v21 =	vmax.f32 v21, v24  }
0xc2: {  	v55 =	vsel vm5, $0xBF800000, v35;
	v8 =	vadd.f32 v8, v35;
	v21 =	vmax.f32 v21, v22  }
0xc3: {  	(erf) = vrcp.f32 v48;
	v56 =	vsel vm6, $0xBF800000, v37;
	v57 =	vmax.f32 v21, v55  }
0xc4: {  	vm7 =	veq.f32 v13, v16;
	v58 =	vadd.f32 v8, v37;
	v13 =	vmax.f32 v57, v56  }
0xc5: {  	v2 =	vmul.f32 v2, v5;
	v59 =	vsel vm7, $0x1, v39;
	vm9 =	veq.f32 v55, v13  }
0xc6: {  	(erf) = vrcp.f32 v58;
	vm10 =	veq.f32 v22, v13;
	v60 =	vsel vm9, $0x6, v0  }
0xc7: {  	vm8 =	veq.f32 v15, v16;
	vm11 =	veq.f32 v24, v13;
	v62 =	vsel vm10, $0x5, v60  }
0xc8: {  	[tilespmem:s17+$0x400] =	vst v20;
	v61 =	vsel vm8, $0x0, v59;
	vm12 =	veq.f32 v54, v13;
	v8 =	vsel vm11, $0x4, v62  }
0xc9: {  	[tilespmem:s17+$0x480] =	vst v61;
	vm13 =	veq.f32 v53, v13;
	v63 =	vsel vm12, $0x3, v8  }
0xca: {  	[tilespmem:s15+$0x500] =	vst v1;
	vm14 =	veq.f32 v52, v13;
	v1 =	vsel vm13, $0x2, v63  }
0xcb: {  	[tilespmem:s15+$0x580] =	vst v2;
	v2 =	vpop (erf);
	vm15 =	veq.f32 v51, v13;
	v1 =	vsel vm14, $0x1, v1  }
0xcc: {  	[tilespmem:s18+$0x400] =	vst v7;
	v3 =	vmul.f32 v2, v3;
	v1 =	vsel vm15, $0x0, v1  }
0xcd: {  	[tilespmem:s18+$0x480] =	vst v1;
	v1 =	vmul.f32 v4, v2;
	v2 =	vpop (erf)  }
0xce: {  	[tilespmem:s16+$0x500] =	vst v3;
	v3 =	vmul.f32 v2, v12  }
0xcf: {  	[tilespmem:s16+$0x580] =	vst v1;
	v1 =	vmul.f32 v16, v2;
	v2 =	vpop (erf)  }
0xd0: {  	[tilespmem:s17+$0x500] =	vst v3;
	v3 =	vmul.f32 v2, v38  }
0xd1: {  	[tilespmem:s17+$0x580] =	vst v1;
	v1 =	vmul.f32 v13, v2  }
0xd2: {  	[tilespmem:s18+$0x500] =	vst v3  }
0xd3: {  	[tilespmem:s18+$0x580] =	vst v1  }
0xd4: {  	[hbm4b:s4+s2] =	stream.linear.scatter [tilespmem:s10], [sflag:$0x1], $0x80, $0x38;
	[tilespmem:$0x600] =	vst v63  }
0xd5: {  	_ =	swait.ge [sflag:s9], $0x80  }
0xd6: {  	[sflag:s9] =	ssyncset.done $0x0  }
0xd7: {  	[sflag:s9] =	ssyncadd.s32 $0xFFFFFF80  }
0xd8: {  	[hbm4b:s5+s2] =	stream.linear.scatter [tilespmem:s11], [sflag:$0x1], $0x80, $0x38;
	[tilespmem:$0x600] =	vst v63  }
0xd9: {  	_ =	swait.ge [sflag:s9], $0x80  }
0xda: {  	[sflag:s9] =	ssyncset.done $0x0  }
0xdb: {  	[sflag:s9] =	ssyncadd.s32 $0xFFFFFF80  }
0xdc: {  	[hbm4b:s6+s2] =	stream.linear.scatter [tilespmem:s12], [sflag:$0x1], $0x80, $0x38;
	[tilespmem:$0x600] =	vst v63  }
0xdd: {  	s14 =	sadd.s32 $0x1, s14;
	_ =	swait.ge [sflag:s9], $0x80  }
0xde: {  	p0 =	sne.s32 s14, s8;
	[sflag:s9] =	ssyncset.done $0x0  }
.Ltmp1:
0xdf: {  	[sflag:s9] =	ssyncadd.s32 $0xFFFFFF80;
	(pc) =	sbr.rel @p0 .LBB2_1-.Ltmp1, $4  }
0xe0: {  	[hbm4b:s7+s2] =	stream.linear.scatter [tilespmem:s13], [sflag:$0x1], $0x80, $0x38;
	[tilespmem:$0x600] =	vst v63  }
0xe1: {  	_ =	swait.ge [sflag:s9], $0x80  }
0xe2: {  	[sflag:s9] =	ssyncset.done $0x0  }
0xe3: {  	[sflag:s9] =	ssyncadd.s32 $0xFFFFFF80  }
0xe4: {  	_ =	sfence.sel $0x180000  }
0xe5: {  	[bflag:$0x0] =	sbarrier.arrive $0xFFFF  }
0xe6: {  	p0 =	sne.s32 s1, $0x0;
	_ =	strace $0x9000004A  }
0xe7: {  	s0 =	sadd.s32 @!p0 $0x100000, s0;
	[bflag:$0x2] =	sbarrier.arrive $0xFFFF  }
0xe8: {  	[sflag:s0] =	ssyncadd.tile.s32 @!p0 $0x1;
	_ =	shalt  }
.Lfunc_end2:
_tile_overlayer_lowered:
.L_overlay_start_2:
0xe9: {  	(tag) =	ssettag $0x2  }
0xea: {  	s0 =	rddreg [dreg:$0x0];
	s2 =	stileid.u32  }
0xeb: {  	s1 =	rddreg [dreg:$0x1];
	p0 =	sne.s32 s2, $0x0  }
0xec: {  	s3 =	rddreg [dreg:$0x2];
	[bflag:$0x3] =	sbarrier.arrive $0xFFFF;
	s2 =	simm.s32 @!p0 $0x1C01  }
0xed: {  	[timem:s3], [sflag:s2] =	dma.local @!p0 [hbm:s0], s1  }
0xee: {  	s0 =	simm.s32 @!p0 $0x1  }
0xef: {  	_ =	swait.ge @!p0 [sflag:s0], s1  }
0xf0: {  	s1 =	ssub.s32 @!p0 $0x0, s1;
	[sflag:s0] =	ssyncset.done @!p0 $0x0  }
0xf1: {  	[sflag:s0] =	ssyncadd.s32 @!p0 s1  }
0xf2: {  	[bflag:$0x3] =	sbarrier.arrive $0xFFFF  }
0xf3: {  	_ =	shalt  }

</sc_bundles>
